<compile_context>
chip_gen: v7x
topology: tpu7x:2x2x1
jax: 0.10.2.dev20260603
libtpu: 0.0.44.dev20260713+nightly
codegen_flags: <defaults>
</compile_context>

<pallas_src>
import functools

import jax
import jax.numpy as jnp
from jax import lax
from jax.experimental import pallas as pl
from jax.experimental.pallas import tpu as pltpu
from jax.experimental.pallas import tpu_sc as plsc

B = 16384
D = 32
L = 16
NC, NS = 2, 16
NW = NC * NS
BW = B // NW
CH = 128
NCH = BW // CH


def _sc_predict(uid, iid, user_emb, item_emb, ub_flat, ib_flat, global_bias):
    mesh = plsc.VectorSubcoreMesh(core_axis_name="c", subcore_axis_name="s")
    cp = pltpu.CompilerParams(
        needs_layout_passes=False,
        use_tc_tiling_on_sc=False,
    )

    @functools.partial(
        pl.kernel,
        out_type=jax.ShapeDtypeStruct((B,), jnp.float32),
        mesh=mesh,
        compiler_params=cp,
        scratch_types=[
            pltpu.VMEM((NCH, CH), jnp.int32),
            pltpu.VMEM((NCH, CH), jnp.int32),
            pltpu.VMEM((BW, D), jnp.float32),
            pltpu.VMEM((BW, D), jnp.float32),
            pltpu.VMEM((BW,), jnp.float32),
            pltpu.VMEM((BW,), jnp.float32),
            pltpu.VMEM((BW,), jnp.float32),
            pltpu.VMEM((L,), jnp.float32),
            pltpu.SemaphoreType.DMA,
            pltpu.SemaphoreType.DMA,
            pltpu.SemaphoreType.DMA,
            pltpu.SemaphoreType.DMA,
        ],
    )
    def k(uid_hbm, iid_hbm, uemb_hbm, iemb_hbm, ub_hbm, ib_hbm, gb_hbm,
          out_hbm, uidx, iidx, urows, irows, ubv, ibv, outv, gbv,
          sem_u, sem_i, sem_ub, sem_ib):
        wid = lax.axis_index("s") * NC + lax.axis_index("c")
        pltpu.sync_copy(uid_hbm.at[wid], uidx)
        pltpu.sync_copy(iid_hbm.at[wid], iidx)
        pltpu.sync_copy(gb_hbm, gbv)

        copies = []
        for c in range(NCH):
            dst = pl.ds(c * CH, CH)
            copies.append(pltpu.async_copy(
                uemb_hbm.at[uidx.at[c]], urows.at[dst], sem_u))
            copies.append(pltpu.async_copy(
                iemb_hbm.at[iidx.at[c]], irows.at[dst], sem_i))
            copies.append(pltpu.async_copy(
                ub_hbm.at[uidx.at[c]], ubv.at[dst], sem_ub))
            copies.append(pltpu.async_copy(
                ib_hbm.at[iidx.at[c]], ibv.at[dst], sem_ib))
        for cp_ in copies:
            cp_.wait()

        gb = gbv[...]
        lane = lax.iota(jnp.int32, L)

        @pl.loop(0, BW, step=L)
        def _(t):
            vec = jnp.zeros((L,), jnp.float32)
            for r in range(L):
                b = t + r
                u0 = urows[b, pl.ds(0, L)]
                u1 = urows[b, pl.ds(L, L)]
                v0 = irows[b, pl.ds(0, L)]
                v1 = irows[b, pl.ds(L, L)]
                s = jnp.sum(u0 * v0 + u1 * v1)
                vec = jnp.where(lane == r, s, vec)
            d = pl.ds(t, L)
            outv[d] = vec + ubv[d] + ibv[d] + gb

        pltpu.sync_copy(outv, out_hbm.at[pl.ds(wid * BW, BW)])

    return k(uid, iid, user_emb, item_emb, ub_flat, ib_flat, global_bias)


def kernel(user_ids, item_ids, user_emb, item_emb, user_bias, item_bias,
           global_bias):
    uid = user_ids.reshape(NW, NCH, CH)
    iid = item_ids.reshape(NW, NCH, CH)
    ub = user_bias.reshape(-1)
    ib = item_bias.reshape(-1)
    gbl = jnp.broadcast_to(global_bias.reshape(()), (L,))
    return _sc_predict(uid, iid, user_emb, item_emb, ub, ib, gbl)

# --- scband reference (transcript-rebuilt; emitter-appended) ---
"""Pipeline reference for scband-matrix-factorization-biased-7404523619032 (READ-ONLY COPY).

The authoritative reference and input builder live on the scoring server;
editing this copy changes nothing except your own understanding.
"""

import jax, jax.numpy as jnp
import numpy as np

NUM_USERS = 1000000
NUM_ITEMS = 1000000
EMBED_DIM = 32
BATCH = 16384

def setup_inputs(seed: int = 0) -> dict:
    key = jax.random.key(seed)
    k1, k2, k3, k4 = jax.random.split(key, 4)
    user_ids = jax.random.randint(k1, (BATCH,), 0, NUM_USERS, dtype=jnp.int64) if jax.config.jax_enable_x64 else jax.random.randint(k1, (BATCH,), 0, NUM_USERS, dtype=jnp.int32)
    item_ids = jax.random.randint(k2, (BATCH,), 0, NUM_ITEMS, dtype=jnp.int32)
    user_ids = user_ids.astype(jnp.int32)
    user_emb = jax.random.normal(k3, (NUM_USERS, EMBED_DIM), dtype=jnp.float32) * 0.01
    item_emb = jax.random.normal(k4, (NUM_ITEMS, EMBED_DIM), dtype=jnp.float32) * 0.01
    user_bias = jnp.zeros((NUM_USERS, 1), dtype=jnp.float32)
    item_bias = jnp.zeros((NUM_ITEMS, 1), dtype=jnp.float32)
    global_bias = jnp.array([0.0], dtype=jnp.float32)
    return {
        "user_ids": user_ids,
        "item_ids": item_ids,
        "user_emb": user_emb,
        "item_emb": item_emb,
        "user_bias": user_bias,
        "item_bias": item_bias,
        "global_bias": global_bias,
    }

def reference(user_ids, item_ids, user_emb, item_emb, user_bias, item_bias, global_bias):
    user_vecs = jnp.take(user_emb, user_ids, axis=0)          # [B, D]
    item_vecs = jnp.take(item_emb, item_ids, axis=0)          # [B, D]
    user_b = jnp.take(user_bias, user_ids, axis=0).squeeze()  # [B]
    item_b = jnp.take(item_bias, item_ids, axis=0).squeeze()  # [B]
    dot_product = (user_vecs * item_vecs).sum(axis=1)         # [B]
    predicted_rating = global_bias + user_b + item_b + dot_product
    return predicted_rating

if __name__ == "__main__":
    import jax
    _d = setup_inputs()
    print(jax.jit(kernel)(*tuple(_d.values())))

</pallas_src>

<mosaic_0001>
#map = affine_map<(d0, d1) -> (0, 0, 0)>
#map1 = affine_map<(d0, d1) -> (0, 0)>
#map2 = affine_map<(d0, d1) -> (0)>
module attributes {stable_mosaic.version = 14 : i64} {
  func.func @k(%arg0: i32, %arg1: i32, %arg2: memref<32x4x128xi32, #tpu.memory_space<hbm>>, %arg3: memref<32x4x128xi32, #tpu.memory_space<hbm>>, %arg4: memref<1000000x32xf32, #tpu.memory_space<hbm>>, %arg5: memref<1000000x32xf32, #tpu.memory_space<hbm>>, %arg6: memref<1000000xf32, #tpu.memory_space<hbm>>, %arg7: memref<1000000xf32, #tpu.memory_space<hbm>>, %arg8: memref<16xf32, #tpu.memory_space<hbm>>, %arg9: memref<16384xf32, #tpu.memory_space<hbm>>, %arg10: memref<4x128xi32, #tpu.memory_space<vmem>>, %arg11: memref<4x128xi32, #tpu.memory_space<vmem>>, %arg12: memref<512x32xf32, #tpu.memory_space<vmem>>, %arg13: memref<512x32xf32, #tpu.memory_space<vmem>>, %arg14: memref<512xf32, #tpu.memory_space<vmem>>, %arg15: memref<512xf32, #tpu.memory_space<vmem>>, %arg16: memref<512xf32, #tpu.memory_space<vmem>>, %arg17: memref<16xf32, #tpu.memory_space<vmem>>, %arg18: memref<!tpu.dma_semaphore, #tpu.memory_space<semaphore_mem>>, %arg19: memref<!tpu.dma_semaphore, #tpu.memory_space<semaphore_mem>>, %arg20: memref<!tpu.dma_semaphore, #tpu.memory_space<semaphore_mem>>, %arg21: memref<!tpu.dma_semaphore, #tpu.memory_space<semaphore_mem>>) attributes {dimension_semantics = [#tpu.dimension_semantics<core_parallel>, #tpu.dimension_semantics<subcore_parallel>], iteration_bounds = array<i64: 2, 16>, scalar_prefetch = 0 : i64, scratch_operands = 12 : i64, tpu.core_type = #tpu.core_type<sc_vector_subcore>, window_params = [{transform_indices = #map}, {transform_indices = #map}, {transform_indices = #map1}, {transform_indices = #map1}, {transform_indices = #map2}, {transform_indices = #map2}, {transform_indices = #map2}, {transform_indices = #map2}]} {
    %mul3A = arith.constant 2 : i32
    %mul3A_0 = arith.muli %arg1, %mul3A : i32
    %add3A = arith.addi %mul3A_0, %arg0 : i32
    "tpu.region"() ({
      %run_scoped3A = tpu.sem_alloc : memref<!tpu.dma_semaphore, #tpu.memory_space<semaphore_mem>>
      %dma_start3A_294 = arith.constant 0 : i32
      %dma_start3A_295 = arith.constant 0 : i32
      %dma_start3A_296 = tpu.memref_slice %arg2[%add3A, %dma_start3A_294, %dma_start3A_295] : memref<32x4x128xi32, #tpu.memory_space<hbm>> -> memref<1x4x128xi32, #tpu.memory_space<hbm>>
      %dma_start3A_297 = tpu.memref_squeeze %dma_start3A_296 : memref<1x4x128xi32, #tpu.memory_space<hbm>> -> memref<4x128xi32, #tpu.memory_space<hbm>>
      %dma_start3A_298 = arith.constant 0 : i32
      %dma_start3A_299 = arith.constant 0 : i32
      %dma_start3A_300 = tpu.memref_slice %arg2[%add3A, %dma_start3A_298, %dma_start3A_299] : memref<32x4x128xi32, #tpu.memory_space<hbm>> -> memref<1x4x128xi32, #tpu.memory_space<hbm>>
      %dma_start3A_301 = tpu.memref_squeeze %dma_start3A_300 : memref<1x4x128xi32, #tpu.memory_space<hbm>> -> memref<4x128xi32, #tpu.memory_space<hbm>>
      tpu.enqueue_dma source(%dma_start3A_301 : memref<4x128xi32, #tpu.memory_space<hbm>>) target(%arg10 : memref<4x128xi32, #tpu.memory_space<vmem>>) target_semaphore(%run_scoped3A : memref<!tpu.dma_semaphore, #tpu.memory_space<semaphore_mem>>)
      %dma_wait3A_302 = arith.constant 0 : i32
      %dma_wait3A_303 = arith.constant 0 : i32
      %dma_wait3A_304 = tpu.memref_slice %arg2[%add3A, %dma_wait3A_302, %dma_wait3A_303] : memref<32x4x128xi32, #tpu.memory_space<hbm>> -> memref<1x4x128xi32, #tpu.memory_space<hbm>>
      %dma_wait3A_305 = tpu.memref_squeeze %dma_wait3A_304 : memref<1x4x128xi32, #tpu.memory_space<hbm>> -> memref<4x128xi32, #tpu.memory_space<hbm>>
      %dma_wait3A_306 = arith.constant 0 : i32
      %dma_wait3A_307 = arith.constant 0 : i32
      %dma_wait3A_308 = tpu.memref_slice %arg2[%add3A, %dma_wait3A_306, %dma_wait3A_307] : memref<32x4x128xi32, #tpu.memory_space<hbm>> -> memref<1x4x128xi32, #tpu.memory_space<hbm>>
      %dma_wait3A_309 = tpu.memref_squeeze %dma_wait3A_308 : memref<1x4x128xi32, #tpu.memory_space<hbm>> -> memref<4x128xi32, #tpu.memory_space<hbm>>
      tpu.wait_dma2 semaphore(%run_scoped3A : memref<!tpu.dma_semaphore, #tpu.memory_space<semaphore_mem>>) src(%dma_wait3A_309 : memref<4x128xi32, #tpu.memory_space<hbm>>) dst(%arg10 : memref<4x128xi32, #tpu.memory_space<vmem>>)
      tpu.yield
    }) : () -> ()
    "tpu.region"() ({
      %run_scoped3A = tpu.sem_alloc : memref<!tpu.dma_semaphore, #tpu.memory_space<semaphore_mem>>
      %dma_start3A_294 = arith.constant 0 : i32
      %dma_start3A_295 = arith.constant 0 : i32
      %dma_start3A_296 = tpu.memref_slice %arg3[%add3A, %dma_start3A_294, %dma_start3A_295] : memref<32x4x128xi32, #tpu.memory_space<hbm>> -> memref<1x4x128xi32, #tpu.memory_space<hbm>>
      %dma_start3A_297 = tpu.memref_squeeze %dma_start3A_296 : memref<1x4x128xi32, #tpu.memory_space<hbm>> -> memref<4x128xi32, #tpu.memory_space<hbm>>
      %dma_start3A_298 = arith.constant 0 : i32
      %dma_start3A_299 = arith.constant 0 : i32
      %dma_start3A_300 = tpu.memref_slice %arg3[%add3A, %dma_start3A_298, %dma_start3A_299] : memref<32x4x128xi32, #tpu.memory_space<hbm>> -> memref<1x4x128xi32, #tpu.memory_space<hbm>>
      %dma_start3A_301 = tpu.memref_squeeze %dma_start3A_300 : memref<1x4x128xi32, #tpu.memory_space<hbm>> -> memref<4x128xi32, #tpu.memory_space<hbm>>
      tpu.enqueue_dma source(%dma_start3A_301 : memref<4x128xi32, #tpu.memory_space<hbm>>) target(%arg11 : memref<4x128xi32, #tpu.memory_space<vmem>>) target_semaphore(%run_scoped3A : memref<!tpu.dma_semaphore, #tpu.memory_space<semaphore_mem>>)
      %dma_wait3A_302 = arith.constant 0 : i32
      %dma_wait3A_303 = arith.constant 0 : i32
      %dma_wait3A_304 = tpu.memref_slice %arg3[%add3A, %dma_wait3A_302, %dma_wait3A_303] : memref<32x4x128xi32, #tpu.memory_space<hbm>> -> memref<1x4x128xi32, #tpu.memory_space<hbm>>
      %dma_wait3A_305 = tpu.memref_squeeze %dma_wait3A_304 : memref<1x4x128xi32, #tpu.memory_space<hbm>> -> memref<4x128xi32, #tpu.memory_space<hbm>>
      %dma_wait3A_306 = arith.constant 0 : i32
      %dma_wait3A_307 = arith.constant 0 : i32
      %dma_wait3A_308 = tpu.memref_slice %arg3[%add3A, %dma_wait3A_306, %dma_wait3A_307] : memref<32x4x128xi32, #tpu.memory_space<hbm>> -> memref<1x4x128xi32, #tpu.memory_space<hbm>>
      %dma_wait3A_309 = tpu.memref_squeeze %dma_wait3A_308 : memref<1x4x128xi32, #tpu.memory_space<hbm>> -> memref<4x128xi32, #tpu.memory_space<hbm>>
      tpu.wait_dma2 semaphore(%run_scoped3A : memref<!tpu.dma_semaphore, #tpu.memory_space<semaphore_mem>>) src(%dma_wait3A_309 : memref<4x128xi32, #tpu.memory_space<hbm>>) dst(%arg11 : memref<4x128xi32, #tpu.memory_space<vmem>>)
      tpu.yield
    }) : () -> ()
    "tpu.region"() ({
      %run_scoped3A = tpu.sem_alloc : memref<!tpu.dma_semaphore, #tpu.memory_space<semaphore_mem>>
      tpu.enqueue_dma source(%arg8 : memref<16xf32, #tpu.memory_space<hbm>>) target(%arg17 : memref<16xf32, #tpu.memory_space<vmem>>) target_semaphore(%run_scoped3A : memref<!tpu.dma_semaphore, #tpu.memory_space<semaphore_mem>>)
      tpu.wait_dma2 semaphore(%run_scoped3A : memref<!tpu.dma_semaphore, #tpu.memory_space<semaphore_mem>>) src(%arg8 : memref<16xf32, #tpu.memory_space<hbm>>) dst(%arg17 : memref<16xf32, #tpu.memory_space<vmem>>)
      tpu.yield
    }) : () -> ()
    %dma_start3A = arith.constant 0 : i32
    %dma_start3A_1 = arith.constant 0 : i32
    %dma_start3A_2 = arith.constant 0 : i32
    %dma_start3A_3 = tpu.memref_slice %arg12[%dma_start3A_1, %dma_start3A_2] : memref<512x32xf32, #tpu.memory_space<vmem>> -> memref<128x32xf32, #tpu.memory_space<vmem>>
    %dma_start3A_4 = arith.constant 0 : i32
    %dma_start3A_5 = tpu.memref_slice %arg10[%dma_start3A, %dma_start3A_4] : memref<4x128xi32, #tpu.memory_space<vmem>> -> memref<1x128xi32, #tpu.memory_space<vmem>>
    %dma_start3A_6 = tpu.memref_squeeze %dma_start3A_5 : memref<1x128xi32, #tpu.memory_space<vmem>> -> memref<128xi32, #tpu.memory_space<vmem>>
    %dma_start3A_7 = arith.constant 0 : i32
    %dma_start3A_8 = arith.constant 0 : i32
    %dma_start3A_9 = tpu.memref_slice %arg4[%dma_start3A_7, %dma_start3A_8] : memref<1000000x32xf32, #tpu.memory_space<hbm>> -> memref<1000000x32xf32, #tpu.memory_space<hbm>>
    tpu.enqueue_indirect_dma source(%dma_start3A_9 : memref<1000000x32xf32, #tpu.memory_space<hbm>>) target(%dma_start3A_3 : memref<128x32xf32, #tpu.memory_space<vmem>>) offsets(%dma_start3A_6 : memref<128xi32, #tpu.memory_space<vmem>>) semaphore(%arg18 : memref<!tpu.dma_semaphore, #tpu.memory_space<semaphore_mem>>)
    %dma_start3A_10 = arith.constant 0 : i32
    %dma_start3A_11 = arith.constant 0 : i32
    %dma_start3A_12 = arith.constant 0 : i32
    %dma_start3A_13 = tpu.memref_slice %arg13[%dma_start3A_11, %dma_start3A_12] : memref<512x32xf32, #tpu.memory_space<vmem>> -> memref<128x32xf32, #tpu.memory_space<vmem>>
    %dma_start3A_14 = arith.constant 0 : i32
    %dma_start3A_15 = tpu.memref_slice %arg11[%dma_start3A_10, %dma_start3A_14] : memref<4x128xi32, #tpu.memory_space<vmem>> -> memref<1x128xi32, #tpu.memory_space<vmem>>
    %dma_start3A_16 = tpu.memref_squeeze %dma_start3A_15 : memref<1x128xi32, #tpu.memory_space<vmem>> -> memref<128xi32, #tpu.memory_space<vmem>>
    %dma_start3A_17 = arith.constant 0 : i32
    %dma_start3A_18 = arith.constant 0 : i32
    %dma_start3A_19 = tpu.memref_slice %arg5[%dma_start3A_17, %dma_start3A_18] : memref<1000000x32xf32, #tpu.memory_space<hbm>> -> memref<1000000x32xf32, #tpu.memory_space<hbm>>
    tpu.enqueue_indirect_dma source(%dma_start3A_19 : memref<1000000x32xf32, #tpu.memory_space<hbm>>) target(%dma_start3A_13 : memref<128x32xf32, #tpu.memory_space<vmem>>) offsets(%dma_start3A_16 : memref<128xi32, #tpu.memory_space<vmem>>) semaphore(%arg19 : memref<!tpu.dma_semaphore, #tpu.memory_space<semaphore_mem>>)
    %dma_start3A_20 = arith.constant 0 : i32
    %dma_start3A_21 = arith.constant 0 : i32
    %dma_start3A_22 = tpu.memref_slice %arg14[%dma_start3A_21] : memref<512xf32, #tpu.memory_space<vmem>> -> memref<128xf32, #tpu.memory_space<vmem>>
    %dma_start3A_23 = arith.constant 0 : i32
    %dma_start3A_24 = tpu.memref_slice %arg10[%dma_start3A_20, %dma_start3A_23] : memref<4x128xi32, #tpu.memory_space<vmem>> -> memref<1x128xi32, #tpu.memory_space<vmem>>
    %dma_start3A_25 = tpu.memref_squeeze %dma_start3A_24 : memref<1x128xi32, #tpu.memory_space<vmem>> -> memref<128xi32, #tpu.memory_space<vmem>>
    %dma_start3A_26 = arith.constant 0 : i32
    %dma_start3A_27 = tpu.memref_slice %arg6[%dma_start3A_26] : memref<1000000xf32, #tpu.memory_space<hbm>> -> memref<1000000xf32, #tpu.memory_space<hbm>>
    tpu.enqueue_indirect_dma source(%dma_start3A_27 : memref<1000000xf32, #tpu.memory_space<hbm>>) target(%dma_start3A_22 : memref<128xf32, #tpu.memory_space<vmem>>) offsets(%dma_start3A_25 : memref<128xi32, #tpu.memory_space<vmem>>) semaphore(%arg20 : memref<!tpu.dma_semaphore, #tpu.memory_space<semaphore_mem>>)
    %dma_start3A_28 = arith.constant 0 : i32
    %dma_start3A_29 = arith.constant 0 : i32
    %dma_start3A_30 = tpu.memref_slice %arg15[%dma_start3A_29] : memref<512xf32, #tpu.memory_space<vmem>> -> memref<128xf32, #tpu.memory_space<vmem>>
    %dma_start3A_31 = arith.constant 0 : i32
    %dma_start3A_32 = tpu.memref_slice %arg11[%dma_start3A_28, %dma_start3A_31] : memref<4x128xi32, #tpu.memory_space<vmem>> -> memref<1x128xi32, #tpu.memory_space<vmem>>
    %dma_start3A_33 = tpu.memref_squeeze %dma_start3A_32 : memref<1x128xi32, #tpu.memory_space<vmem>> -> memref<128xi32, #tpu.memory_space<vmem>>
    %dma_start3A_34 = arith.constant 0 : i32
    %dma_start3A_35 = tpu.memref_slice %arg7[%dma_start3A_34] : memref<1000000xf32, #tpu.memory_space<hbm>> -> memref<1000000xf32, #tpu.memory_space<hbm>>
    tpu.enqueue_indirect_dma source(%dma_start3A_35 : memref<1000000xf32, #tpu.memory_space<hbm>>) target(%dma_start3A_30 : memref<128xf32, #tpu.memory_space<vmem>>) offsets(%dma_start3A_33 : memref<128xi32, #tpu.memory_space<vmem>>) semaphore(%arg21 : memref<!tpu.dma_semaphore, #tpu.memory_space<semaphore_mem>>)
    %dma_start3A_36 = arith.constant 1 : i32
    %dma_start3A_37 = arith.constant 128 : i32
    %dma_start3A_38 = arith.constant 0 : i32
    %dma_start3A_39 = tpu.memref_slice %arg12[%dma_start3A_37, %dma_start3A_38] : memref<512x32xf32, #tpu.memory_space<vmem>> -> memref<128x32xf32, #tpu.memory_space<vmem>>
    %dma_start3A_40 = arith.constant 0 : i32
    %dma_start3A_41 = tpu.memref_slice %arg10[%dma_start3A_36, %dma_start3A_40] : memref<4x128xi32, #tpu.memory_space<vmem>> -> memref<1x128xi32, #tpu.memory_space<vmem>>
    %dma_start3A_42 = tpu.memref_squeeze %dma_start3A_41 : memref<1x128xi32, #tpu.memory_space<vmem>> -> memref<128xi32, #tpu.memory_space<vmem>>
    %dma_start3A_43 = arith.constant 0 : i32
    %dma_start3A_44 = arith.constant 0 : i32
    %dma_start3A_45 = tpu.memref_slice %arg4[%dma_start3A_43, %dma_start3A_44] : memref<1000000x32xf32, #tpu.memory_space<hbm>> -> memref<1000000x32xf32, #tpu.memory_space<hbm>>
    tpu.enqueue_indirect_dma source(%dma_start3A_45 : memref<1000000x32xf32, #tpu.memory_space<hbm>>) target(%dma_start3A_39 : memref<128x32xf32, #tpu.memory_space<vmem>>) offsets(%dma_start3A_42 : memref<128xi32, #tpu.memory_space<vmem>>) semaphore(%arg18 : memref<!tpu.dma_semaphore, #tpu.memory_space<semaphore_mem>>)
    %dma_start3A_46 = arith.constant 1 : i32
    %dma_start3A_47 = arith.constant 128 : i32
    %dma_start3A_48 = arith.constant 0 : i32
    %dma_start3A_49 = tpu.memref_slice %arg13[%dma_start3A_47, %dma_start3A_48] : memref<512x32xf32, #tpu.memory_space<vmem>> -> memref<128x32xf32, #tpu.memory_space<vmem>>
    %dma_start3A_50 = arith.constant 0 : i32
    %dma_start3A_51 = tpu.memref_slice %arg11[%dma_start3A_46, %dma_start3A_50] : memref<4x128xi32, #tpu.memory_space<vmem>> -> memref<1x128xi32, #tpu.memory_space<vmem>>
    %dma_start3A_52 = tpu.memref_squeeze %dma_start3A_51 : memref<1x128xi32, #tpu.memory_space<vmem>> -> memref<128xi32, #tpu.memory_space<vmem>>
    %dma_start3A_53 = arith.constant 0 : i32
    %dma_start3A_54 = arith.constant 0 : i32
    %dma_start3A_55 = tpu.memref_slice %arg5[%dma_start3A_53, %dma_start3A_54] : memref<1000000x32xf32, #tpu.memory_space<hbm>> -> memref<1000000x32xf32, #tpu.memory_space<hbm>>
    tpu.enqueue_indirect_dma source(%dma_start3A_55 : memref<1000000x32xf32, #tpu.memory_space<hbm>>) target(%dma_start3A_49 : memref<128x32xf32, #tpu.memory_space<vmem>>) offsets(%dma_start3A_52 : memref<128xi32, #tpu.memory_space<vmem>>) semaphore(%arg19 : memref<!tpu.dma_semaphore, #tpu.memory_space<semaphore_mem>>)
    %dma_start3A_56 = arith.constant 1 : i32
    %dma_start3A_57 = arith.constant 128 : i32
    %dma_start3A_58 = tpu.memref_slice %arg14[%dma_start3A_57] : memref<512xf32, #tpu.memory_space<vmem>> -> memref<128xf32, #tpu.memory_space<vmem>>
    %dma_start3A_59 = arith.constant 0 : i32
    %dma_start3A_60 = tpu.memref_slice %arg10[%dma_start3A_56, %dma_start3A_59] : memref<4x128xi32, #tpu.memory_space<vmem>> -> memref<1x128xi32, #tpu.memory_space<vmem>>
    %dma_start3A_61 = tpu.memref_squeeze %dma_start3A_60 : memref<1x128xi32, #tpu.memory_space<vmem>> -> memref<128xi32, #tpu.memory_space<vmem>>
    %dma_start3A_62 = arith.constant 0 : i32
    %dma_start3A_63 = tpu.memref_slice %arg6[%dma_start3A_62] : memref<1000000xf32, #tpu.memory_space<hbm>> -> memref<1000000xf32, #tpu.memory_space<hbm>>
    tpu.enqueue_indirect_dma source(%dma_start3A_63 : memref<1000000xf32, #tpu.memory_space<hbm>>) target(%dma_start3A_58 : memref<128xf32, #tpu.memory_space<vmem>>) offsets(%dma_start3A_61 : memref<128xi32, #tpu.memory_space<vmem>>) semaphore(%arg20 : memref<!tpu.dma_semaphore, #tpu.memory_space<semaphore_mem>>)
    %dma_start3A_64 = arith.constant 1 : i32
    %dma_start3A_65 = arith.constant 128 : i32
    %dma_start3A_66 = tpu.memref_slice %arg15[%dma_start3A_65] : memref<512xf32, #tpu.memory_space<vmem>> -> memref<128xf32, #tpu.memory_space<vmem>>
    %dma_start3A_67 = arith.constant 0 : i32
    %dma_start3A_68 = tpu.memref_slice %arg11[%dma_start3A_64, %dma_start3A_67] : memref<4x128xi32, #tpu.memory_space<vmem>> -> memref<1x128xi32, #tpu.memory_space<vmem>>
    %dma_start3A_69 = tpu.memref_squeeze %dma_start3A_68 : memref<1x128xi32, #tpu.memory_space<vmem>> -> memref<128xi32, #tpu.memory_space<vmem>>
    %dma_start3A_70 = arith.constant 0 : i32
    %dma_start3A_71 = tpu.memref_slice %arg7[%dma_start3A_70] : memref<1000000xf32, #tpu.memory_space<hbm>> -> memref<1000000xf32, #tpu.memory_space<hbm>>
    tpu.enqueue_indirect_dma source(%dma_start3A_71 : memref<1000000xf32, #tpu.memory_space<hbm>>) target(%dma_start3A_66 : memref<128xf32, #tpu.memory_space<vmem>>) offsets(%dma_start3A_69 : memref<128xi32, #tpu.memory_space<vmem>>) semaphore(%arg21 : memref<!tpu.dma_semaphore, #tpu.memory_space<semaphore_mem>>)
    %dma_start3A_72 = arith.constant 2 : i32
    %dma_start3A_73 = arith.constant 256 : i32
    %dma_start3A_74 = arith.constant 0 : i32
    %dma_start3A_75 = tpu.memref_slice %arg12[%dma_start3A_73, %dma_start3A_74] : memref<512x32xf32, #tpu.memory_space<vmem>> -> memref<128x32xf32, #tpu.memory_space<vmem>>
    %dma_start3A_76 = arith.constant 0 : i32
    %dma_start3A_77 = tpu.memref_slice %arg10[%dma_start3A_72, %dma_start3A_76] : memref<4x128xi32, #tpu.memory_space<vmem>> -> memref<1x128xi32, #tpu.memory_space<vmem>>
    %dma_start3A_78 = tpu.memref_squeeze %dma_start3A_77 : memref<1x128xi32, #tpu.memory_space<vmem>> -> memref<128xi32, #tpu.memory_space<vmem>>
    %dma_start3A_79 = arith.constant 0 : i32
    %dma_start3A_80 = arith.constant 0 : i32
    %dma_start3A_81 = tpu.memref_slice %arg4[%dma_start3A_79, %dma_start3A_80] : memref<1000000x32xf32, #tpu.memory_space<hbm>> -> memref<1000000x32xf32, #tpu.memory_space<hbm>>
    tpu.enqueue_indirect_dma source(%dma_start3A_81 : memref<1000000x32xf32, #tpu.memory_space<hbm>>) target(%dma_start3A_75 : memref<128x32xf32, #tpu.memory_space<vmem>>) offsets(%dma_start3A_78 : memref<128xi32, #tpu.memory_space<vmem>>) semaphore(%arg18 : memref<!tpu.dma_semaphore, #tpu.memory_space<semaphore_mem>>)
    %dma_start3A_82 = arith.constant 2 : i32
    %dma_start3A_83 = arith.constant 256 : i32
    %dma_start3A_84 = arith.constant 0 : i32
    %dma_start3A_85 = tpu.memref_slice %arg13[%dma_start3A_83, %dma_start3A_84] : memref<512x32xf32, #tpu.memory_space<vmem>> -> memref<128x32xf32, #tpu.memory_space<vmem>>
    %dma_start3A_86 = arith.constant 0 : i32
    %dma_start3A_87 = tpu.memref_slice %arg11[%dma_start3A_82, %dma_start3A_86] : memref<4x128xi32, #tpu.memory_space<vmem>> -> memref<1x128xi32, #tpu.memory_space<vmem>>
    %dma_start3A_88 = tpu.memref_squeeze %dma_start3A_87 : memref<1x128xi32, #tpu.memory_space<vmem>> -> memref<128xi32, #tpu.memory_space<vmem>>
    %dma_start3A_89 = arith.constant 0 : i32
    %dma_start3A_90 = arith.constant 0 : i32
    %dma_start3A_91 = tpu.memref_slice %arg5[%dma_start3A_89, %dma_start3A_90] : memref<1000000x32xf32, #tpu.memory_space<hbm>> -> memref<1000000x32xf32, #tpu.memory_space<hbm>>
    tpu.enqueue_indirect_dma source(%dma_start3A_91 : memref<1000000x32xf32, #tpu.memory_space<hbm>>) target(%dma_start3A_85 : memref<128x32xf32, #tpu.memory_space<vmem>>) offsets(%dma_start3A_88 : memref<128xi32, #tpu.memory_space<vmem>>) semaphore(%arg19 : memref<!tpu.dma_semaphore, #tpu.memory_space<semaphore_mem>>)
    %dma_start3A_92 = arith.constant 2 : i32
    %dma_start3A_93 = arith.constant 256 : i32
    %dma_start3A_94 = tpu.memref_slice %arg14[%dma_start3A_93] : memref<512xf32, #tpu.memory_space<vmem>> -> memref<128xf32, #tpu.memory_space<vmem>>
    %dma_start3A_95 = arith.constant 0 : i32
    %dma_start3A_96 = tpu.memref_slice %arg10[%dma_start3A_92, %dma_start3A_95] : memref<4x128xi32, #tpu.memory_space<vmem>> -> memref<1x128xi32, #tpu.memory_space<vmem>>
    %dma_start3A_97 = tpu.memref_squeeze %dma_start3A_96 : memref<1x128xi32, #tpu.memory_space<vmem>> -> memref<128xi32, #tpu.memory_space<vmem>>
    %dma_start3A_98 = arith.constant 0 : i32
    %dma_start3A_99 = tpu.memref_slice %arg6[%dma_start3A_98] : memref<1000000xf32, #tpu.memory_space<hbm>> -> memref<1000000xf32, #tpu.memory_space<hbm>>
    tpu.enqueue_indirect_dma source(%dma_start3A_99 : memref<1000000xf32, #tpu.memory_space<hbm>>) target(%dma_start3A_94 : memref<128xf32, #tpu.memory_space<vmem>>) offsets(%dma_start3A_97 : memref<128xi32, #tpu.memory_space<vmem>>) semaphore(%arg20 : memref<!tpu.dma_semaphore, #tpu.memory_space<semaphore_mem>>)
    %dma_start3A_100 = arith.constant 2 : i32
    %dma_start3A_101 = arith.constant 256 : i32
    %dma_start3A_102 = tpu.memref_slice %arg15[%dma_start3A_101] : memref<512xf32, #tpu.memory_space<vmem>> -> memref<128xf32, #tpu.memory_space<vmem>>
    %dma_start3A_103 = arith.constant 0 : i32
    %dma_start3A_104 = tpu.memref_slice %arg11[%dma_start3A_100, %dma_start3A_103] : memref<4x128xi32, #tpu.memory_space<vmem>> -> memref<1x128xi32, #tpu.memory_space<vmem>>
    %dma_start3A_105 = tpu.memref_squeeze %dma_start3A_104 : memref<1x128xi32, #tpu.memory_space<vmem>> -> memref<128xi32, #tpu.memory_space<vmem>>
    %dma_start3A_106 = arith.constant 0 : i32
    %dma_start3A_107 = tpu.memref_slice %arg7[%dma_start3A_106] : memref<1000000xf32, #tpu.memory_space<hbm>> -> memref<1000000xf32, #tpu.memory_space<hbm>>
    tpu.enqueue_indirect_dma source(%dma_start3A_107 : memref<1000000xf32, #tpu.memory_space<hbm>>) target(%dma_start3A_102 : memref<128xf32, #tpu.memory_space<vmem>>) offsets(%dma_start3A_105 : memref<128xi32, #tpu.memory_space<vmem>>) semaphore(%arg21 : memref<!tpu.dma_semaphore, #tpu.memory_space<semaphore_mem>>)
    %dma_start3A_108 = arith.constant 3 : i32
    %dma_start3A_109 = arith.constant 384 : i32
    %dma_start3A_110 = arith.constant 0 : i32
    %dma_start3A_111 = tpu.memref_slice %arg12[%dma_start3A_109, %dma_start3A_110] : memref<512x32xf32, #tpu.memory_space<vmem>> -> memref<128x32xf32, #tpu.memory_space<vmem>>
    %dma_start3A_112 = arith.constant 0 : i32
    %dma_start3A_113 = tpu.memref_slice %arg10[%dma_start3A_108, %dma_start3A_112] : memref<4x128xi32, #tpu.memory_space<vmem>> -> memref<1x128xi32, #tpu.memory_space<vmem>>
    %dma_start3A_114 = tpu.memref_squeeze %dma_start3A_113 : memref<1x128xi32, #tpu.memory_space<vmem>> -> memref<128xi32, #tpu.memory_space<vmem>>
    %dma_start3A_115 = arith.constant 0 : i32
    %dma_start3A_116 = arith.constant 0 : i32
    %dma_start3A_117 = tpu.memref_slice %arg4[%dma_start3A_115, %dma_start3A_116] : memref<1000000x32xf32, #tpu.memory_space<hbm>> -> memref<1000000x32xf32, #tpu.memory_space<hbm>>
    tpu.enqueue_indirect_dma source(%dma_start3A_117 : memref<1000000x32xf32, #tpu.memory_space<hbm>>) target(%dma_start3A_111 : memref<128x32xf32, #tpu.memory_space<vmem>>) offsets(%dma_start3A_114 : memref<128xi32, #tpu.memory_space<vmem>>) semaphore(%arg18 : memref<!tpu.dma_semaphore, #tpu.memory_space<semaphore_mem>>)
    %dma_start3A_118 = arith.constant 3 : i32
    %dma_start3A_119 = arith.constant 384 : i32
    %dma_start3A_120 = arith.constant 0 : i32
    %dma_start3A_121 = tpu.memref_slice %arg13[%dma_start3A_119, %dma_start3A_120] : memref<512x32xf32, #tpu.memory_space<vmem>> -> memref<128x32xf32, #tpu.memory_space<vmem>>
    %dma_start3A_122 = arith.constant 0 : i32
    %dma_start3A_123 = tpu.memref_slice %arg11[%dma_start3A_118, %dma_start3A_122] : memref<4x128xi32, #tpu.memory_space<vmem>> -> memref<1x128xi32, #tpu.memory_space<vmem>>
    %dma_start3A_124 = tpu.memref_squeeze %dma_start3A_123 : memref<1x128xi32, #tpu.memory_space<vmem>> -> memref<128xi32, #tpu.memory_space<vmem>>
    %dma_start3A_125 = arith.constant 0 : i32
    %dma_start3A_126 = arith.constant 0 : i32
    %dma_start3A_127 = tpu.memref_slice %arg5[%dma_start3A_125, %dma_start3A_126] : memref<1000000x32xf32, #tpu.memory_space<hbm>> -> memref<1000000x32xf32, #tpu.memory_space<hbm>>
    tpu.enqueue_indirect_dma source(%dma_start3A_127 : memref<1000000x32xf32, #tpu.memory_space<hbm>>) target(%dma_start3A_121 : memref<128x32xf32, #tpu.memory_space<vmem>>) offsets(%dma_start3A_124 : memref<128xi32, #tpu.memory_space<vmem>>) semaphore(%arg19 : memref<!tpu.dma_semaphore, #tpu.memory_space<semaphore_mem>>)
    %dma_start3A_128 = arith.constant 3 : i32
    %dma_start3A_129 = arith.constant 384 : i32
    %dma_start3A_130 = tpu.memref_slice %arg14[%dma_start3A_129] : memref<512xf32, #tpu.memory_space<vmem>> -> memref<128xf32, #tpu.memory_space<vmem>>
    %dma_start3A_131 = arith.constant 0 : i32
    %dma_start3A_132 = tpu.memref_slice %arg10[%dma_start3A_128, %dma_start3A_131] : memref<4x128xi32, #tpu.memory_space<vmem>> -> memref<1x128xi32, #tpu.memory_space<vmem>>
    %dma_start3A_133 = tpu.memref_squeeze %dma_start3A_132 : memref<1x128xi32, #tpu.memory_space<vmem>> -> memref<128xi32, #tpu.memory_space<vmem>>
    %dma_start3A_134 = arith.constant 0 : i32
    %dma_start3A_135 = tpu.memref_slice %arg6[%dma_start3A_134] : memref<1000000xf32, #tpu.memory_space<hbm>> -> memref<1000000xf32, #tpu.memory_space<hbm>>
    tpu.enqueue_indirect_dma source(%dma_start3A_135 : memref<1000000xf32, #tpu.memory_space<hbm>>) target(%dma_start3A_130 : memref<128xf32, #tpu.memory_space<vmem>>) offsets(%dma_start3A_133 : memref<128xi32, #tpu.memory_space<vmem>>) semaphore(%arg20 : memref<!tpu.dma_semaphore, #tpu.memory_space<semaphore_mem>>)
    %dma_start3A_136 = arith.constant 3 : i32
    %dma_start3A_137 = arith.constant 384 : i32
    %dma_start3A_138 = tpu.memref_slice %arg15[%dma_start3A_137] : memref<512xf32, #tpu.memory_space<vmem>> -> memref<128xf32, #tpu.memory_space<vmem>>
    %dma_start3A_139 = arith.constant 0 : i32
    %dma_start3A_140 = tpu.memref_slice %arg11[%dma_start3A_136, %dma_start3A_139] : memref<4x128xi32, #tpu.memory_space<vmem>> -> memref<1x128xi32, #tpu.memory_space<vmem>>
    %dma_start3A_141 = tpu.memref_squeeze %dma_start3A_140 : memref<1x128xi32, #tpu.memory_space<vmem>> -> memref<128xi32, #tpu.memory_space<vmem>>
    %dma_start3A_142 = arith.constant 0 : i32
    %dma_start3A_143 = tpu.memref_slice %arg7[%dma_start3A_142] : memref<1000000xf32, #tpu.memory_space<hbm>> -> memref<1000000xf32, #tpu.memory_space<hbm>>
    tpu.enqueue_indirect_dma source(%dma_start3A_143 : memref<1000000xf32, #tpu.memory_space<hbm>>) target(%dma_start3A_138 : memref<128xf32, #tpu.memory_space<vmem>>) offsets(%dma_start3A_141 : memref<128xi32, #tpu.memory_space<vmem>>) semaphore(%arg21 : memref<!tpu.dma_semaphore, #tpu.memory_space<semaphore_mem>>)
    %dma_wait3A = arith.constant 0 : i32
    %dma_wait3A_144 = arith.constant 0 : i32
    %dma_wait3A_145 = arith.constant 0 : i32
    %dma_wait3A_146 = tpu.memref_slice %arg12[%dma_wait3A_144, %dma_wait3A_145] : memref<512x32xf32, #tpu.memory_space<vmem>> -> memref<128x32xf32, #tpu.memory_space<vmem>>
    %dma_wait3A_147 = arith.constant 0 : i32
    %dma_wait3A_148 = tpu.memref_slice %arg10[%dma_wait3A, %dma_wait3A_147] : memref<4x128xi32, #tpu.memory_space<vmem>> -> memref<1x128xi32, #tpu.memory_space<vmem>>
    %dma_wait3A_149 = tpu.memref_squeeze %dma_wait3A_148 : memref<1x128xi32, #tpu.memory_space<vmem>> -> memref<128xi32, #tpu.memory_space<vmem>>
    %dma_wait3A_150 = arith.constant 0 : i32
    %dma_wait3A_151 = arith.constant 0 : i32
    %dma_wait3A_152 = tpu.memref_slice %arg4[%dma_wait3A_150, %dma_wait3A_151] : memref<1000000x32xf32, #tpu.memory_space<hbm>> -> memref<1000000x32xf32, #tpu.memory_space<hbm>>
    tpu.wait_indirect_dma semaphore(%arg18 : memref<!tpu.dma_semaphore, #tpu.memory_space<semaphore_mem>>) src(%dma_wait3A_152 : memref<1000000x32xf32, #tpu.memory_space<hbm>>) dst(%dma_wait3A_146 : memref<128x32xf32, #tpu.memory_space<vmem>>)
    %dma_wait3A_153 = arith.constant 0 : i32
    %dma_wait3A_154 = arith.constant 0 : i32
    %dma_wait3A_155 = arith.constant 0 : i32
    %dma_wait3A_156 = tpu.memref_slice %arg13[%dma_wait3A_154, %dma_wait3A_155] : memref<512x32xf32, #tpu.memory_space<vmem>> -> memref<128x32xf32, #tpu.memory_space<vmem>>
    %dma_wait3A_157 = arith.constant 0 : i32
    %dma_wait3A_158 = tpu.memref_slice %arg11[%dma_wait3A_153, %dma_wait3A_157] : memref<4x128xi32, #tpu.memory_space<vmem>> -> memref<1x128xi32, #tpu.memory_space<vmem>>
    %dma_wait3A_159 = tpu.memref_squeeze %dma_wait3A_158 : memref<1x128xi32, #tpu.memory_space<vmem>> -> memref<128xi32, #tpu.memory_space<vmem>>
    %dma_wait3A_160 = arith.constant 0 : i32
    %dma_wait3A_161 = arith.constant 0 : i32
    %dma_wait3A_162 = tpu.memref_slice %arg5[%dma_wait3A_160, %dma_wait3A_161] : memref<1000000x32xf32, #tpu.memory_space<hbm>> -> memref<1000000x32xf32, #tpu.memory_space<hbm>>
    tpu.wait_indirect_dma semaphore(%arg19 : memref<!tpu.dma_semaphore, #tpu.memory_space<semaphore_mem>>) src(%dma_wait3A_162 : memref<1000000x32xf32, #tpu.memory_space<hbm>>) dst(%dma_wait3A_156 : memref<128x32xf32, #tpu.memory_space<vmem>>)
    %dma_wait3A_163 = arith.constant 0 : i32
    %dma_wait3A_164 = arith.constant 0 : i32
    %dma_wait3A_165 = tpu.memref_slice %arg14[%dma_wait3A_164] : memref<512xf32, #tpu.memory_space<vmem>> -> memref<128xf32, #tpu.memory_space<vmem>>
    %dma_wait3A_166 = arith.constant 0 : i32
    %dma_wait3A_167 = tpu.memref_slice %arg10[%dma_wait3A_163, %dma_wait3A_166] : memref<4x128xi32, #tpu.memory_space<vmem>> -> memref<1x128xi32, #tpu.memory_space<vmem>>
    %dma_wait3A_168 = tpu.memref_squeeze %dma_wait3A_167 : memref<1x128xi32, #tpu.memory_space<vmem>> -> memref<128xi32, #tpu.memory_space<vmem>>
    %dma_wait3A_169 = arith.constant 0 : i32
    %dma_wait3A_170 = tpu.memref_slice %arg6[%dma_wait3A_169] : memref<1000000xf32, #tpu.memory_space<hbm>> -> memref<1000000xf32, #tpu.memory_space<hbm>>
    tpu.wait_indirect_dma semaphore(%arg20 : memref<!tpu.dma_semaphore, #tpu.memory_space<semaphore_mem>>) src(%dma_wait3A_170 : memref<1000000xf32, #tpu.memory_space<hbm>>) dst(%dma_wait3A_165 : memref<128xf32, #tpu.memory_space<vmem>>)
    %dma_wait3A_171 = arith.constant 0 : i32
    %dma_wait3A_172 = arith.constant 0 : i32
    %dma_wait3A_173 = tpu.memref_slice %arg15[%dma_wait3A_172] : memref<512xf32, #tpu.memory_space<vmem>> -> memref<128xf32, #tpu.memory_space<vmem>>
    %dma_wait3A_174 = arith.constant 0 : i32
    %dma_wait3A_175 = tpu.memref_slice %arg11[%dma_wait3A_171, %dma_wait3A_174] : memref<4x128xi32, #tpu.memory_space<vmem>> -> memref<1x128xi32, #tpu.memory_space<vmem>>
    %dma_wait3A_176 = tpu.memref_squeeze %dma_wait3A_175 : memref<1x128xi32, #tpu.memory_space<vmem>> -> memref<128xi32, #tpu.memory_space<vmem>>
    %dma_wait3A_177 = arith.constant 0 : i32
    %dma_wait3A_178 = tpu.memref_slice %arg7[%dma_wait3A_177] : memref<1000000xf32, #tpu.memory_space<hbm>> -> memref<1000000xf32, #tpu.memory_space<hbm>>
    tpu.wait_indirect_dma semaphore(%arg21 : memref<!tpu.dma_semaphore, #tpu.memory_space<semaphore_mem>>) src(%dma_wait3A_178 : memref<1000000xf32, #tpu.memory_space<hbm>>) dst(%dma_wait3A_173 : memref<128xf32, #tpu.memory_space<vmem>>)
    %dma_wait3A_179 = arith.constant 1 : i32
    %dma_wait3A_180 = arith.constant 128 : i32
    %dma_wait3A_181 = arith.constant 0 : i32
    %dma_wait3A_182 = tpu.memref_slice %arg12[%dma_wait3A_180, %dma_wait3A_181] : memref<512x32xf32, #tpu.memory_space<vmem>> -> memref<128x32xf32, #tpu.memory_space<vmem>>
    %dma_wait3A_183 = arith.constant 0 : i32
    %dma_wait3A_184 = tpu.memref_slice %arg10[%dma_wait3A_179, %dma_wait3A_183] : memref<4x128xi32, #tpu.memory_space<vmem>> -> memref<1x128xi32, #tpu.memory_space<vmem>>
    %dma_wait3A_185 = tpu.memref_squeeze %dma_wait3A_184 : memref<1x128xi32, #tpu.memory_space<vmem>> -> memref<128xi32, #tpu.memory_space<vmem>>
    %dma_wait3A_186 = arith.constant 0 : i32
    %dma_wait3A_187 = arith.constant 0 : i32
    %dma_wait3A_188 = tpu.memref_slice %arg4[%dma_wait3A_186, %dma_wait3A_187] : memref<1000000x32xf32, #tpu.memory_space<hbm>> -> memref<1000000x32xf32, #tpu.memory_space<hbm>>
    tpu.wait_indirect_dma semaphore(%arg18 : memref<!tpu.dma_semaphore, #tpu.memory_space<semaphore_mem>>) src(%dma_wait3A_188 : memref<1000000x32xf32, #tpu.memory_space<hbm>>) dst(%dma_wait3A_182 : memref<128x32xf32, #tpu.memory_space<vmem>>)
    %dma_wait3A_189 = arith.constant 1 : i32
    %dma_wait3A_190 = arith.constant 128 : i32
    %dma_wait3A_191 = arith.constant 0 : i32
    %dma_wait3A_192 = tpu.memref_slice %arg13[%dma_wait3A_190, %dma_wait3A_191] : memref<512x32xf32, #tpu.memory_space<vmem>> -> memref<128x32xf32, #tpu.memory_space<vmem>>
    %dma_wait3A_193 = arith.constant 0 : i32
    %dma_wait3A_194 = tpu.memref_slice %arg11[%dma_wait3A_189, %dma_wait3A_193] : memref<4x128xi32, #tpu.memory_space<vmem>> -> memref<1x128xi32, #tpu.memory_space<vmem>>
    %dma_wait3A_195 = tpu.memref_squeeze %dma_wait3A_194 : memref<1x128xi32, #tpu.memory_space<vmem>> -> memref<128xi32, #tpu.memory_space<vmem>>
    %dma_wait3A_196 = arith.constant 0 : i32
    %dma_wait3A_197 = arith.constant 0 : i32
    %dma_wait3A_198 = tpu.memref_slice %arg5[%dma_wait3A_196, %dma_wait3A_197] : memref<1000000x32xf32, #tpu.memory_space<hbm>> -> memref<1000000x32xf32, #tpu.memory_space<hbm>>
    tpu.wait_indirect_dma semaphore(%arg19 : memref<!tpu.dma_semaphore, #tpu.memory_space<semaphore_mem>>) src(%dma_wait3A_198 : memref<1000000x32xf32, #tpu.memory_space<hbm>>) dst(%dma_wait3A_192 : memref<128x32xf32, #tpu.memory_space<vmem>>)
    %dma_wait3A_199 = arith.constant 1 : i32
    %dma_wait3A_200 = arith.constant 128 : i32
    %dma_wait3A_201 = tpu.memref_slice %arg14[%dma_wait3A_200] : memref<512xf32, #tpu.memory_space<vmem>> -> memref<128xf32, #tpu.memory_space<vmem>>
    %dma_wait3A_202 = arith.constant 0 : i32
    %dma_wait3A_203 = tpu.memref_slice %arg10[%dma_wait3A_199, %dma_wait3A_202] : memref<4x128xi32, #tpu.memory_space<vmem>> -> memref<1x128xi32, #tpu.memory_space<vmem>>
    %dma_wait3A_204 = tpu.memref_squeeze %dma_wait3A_203 : memref<1x128xi32, #tpu.memory_space<vmem>> -> memref<128xi32, #tpu.memory_space<vmem>>
    %dma_wait3A_205 = arith.constant 0 : i32
    %dma_wait3A_206 = tpu.memref_slice %arg6[%dma_wait3A_205] : memref<1000000xf32, #tpu.memory_space<hbm>> -> memref<1000000xf32, #tpu.memory_space<hbm>>
    tpu.wait_indirect_dma semaphore(%arg20 : memref<!tpu.dma_semaphore, #tpu.memory_space<semaphore_mem>>) src(%dma_wait3A_206 : memref<1000000xf32, #tpu.memory_space<hbm>>) dst(%dma_wait3A_201 : memref<128xf32, #tpu.memory_space<vmem>>)
    %dma_wait3A_207 = arith.constant 1 : i32
    %dma_wait3A_208 = arith.constant 128 : i32
    %dma_wait3A_209 = tpu.memref_slice %arg15[%dma_wait3A_208] : memref<512xf32, #tpu.memory_space<vmem>> -> memref<128xf32, #tpu.memory_space<vmem>>
    %dma_wait3A_210 = arith.constant 0 : i32
    %dma_wait3A_211 = tpu.memref_slice %arg11[%dma_wait3A_207, %dma_wait3A_210] : memref<4x128xi32, #tpu.memory_space<vmem>> -> memref<1x128xi32, #tpu.memory_space<vmem>>
    %dma_wait3A_212 = tpu.memref_squeeze %dma_wait3A_211 : memref<1x128xi32, #tpu.memory_space<vmem>> -> memref<128xi32, #tpu.memory_space<vmem>>
    %dma_wait3A_213 = arith.constant 0 : i32
    %dma_wait3A_214 = tpu.memref_slice %arg7[%dma_wait3A_213] : memref<1000000xf32, #tpu.memory_space<hbm>> -> memref<1000000xf32, #tpu.memory_space<hbm>>
    tpu.wait_indirect_dma semaphore(%arg21 : memref<!tpu.dma_semaphore, #tpu.memory_space<semaphore_mem>>) src(%dma_wait3A_214 : memref<1000000xf32, #tpu.memory_space<hbm>>) dst(%dma_wait3A_209 : memref<128xf32, #tpu.memory_space<vmem>>)
    %dma_wait3A_215 = arith.constant 2 : i32
    %dma_wait3A_216 = arith.constant 256 : i32
    %dma_wait3A_217 = arith.constant 0 : i32
    %dma_wait3A_218 = tpu.memref_slice %arg12[%dma_wait3A_216, %dma_wait3A_217] : memref<512x32xf32, #tpu.memory_space<vmem>> -> memref<128x32xf32, #tpu.memory_space<vmem>>
    %dma_wait3A_219 = arith.constant 0 : i32
    %dma_wait3A_220 = tpu.memref_slice %arg10[%dma_wait3A_215, %dma_wait3A_219] : memref<4x128xi32, #tpu.memory_space<vmem>> -> memref<1x128xi32, #tpu.memory_space<vmem>>
    %dma_wait3A_221 = tpu.memref_squeeze %dma_wait3A_220 : memref<1x128xi32, #tpu.memory_space<vmem>> -> memref<128xi32, #tpu.memory_space<vmem>>
    %dma_wait3A_222 = arith.constant 0 : i32
    %dma_wait3A_223 = arith.constant 0 : i32
    %dma_wait3A_224 = tpu.memref_slice %arg4[%dma_wait3A_222, %dma_wait3A_223] : memref<1000000x32xf32, #tpu.memory_space<hbm>> -> memref<1000000x32xf32, #tpu.memory_space<hbm>>
    tpu.wait_indirect_dma semaphore(%arg18 : memref<!tpu.dma_semaphore, #tpu.memory_space<semaphore_mem>>) src(%dma_wait3A_224 : memref<1000000x32xf32, #tpu.memory_space<hbm>>) dst(%dma_wait3A_218 : memref<128x32xf32, #tpu.memory_space<vmem>>)
    %dma_wait3A_225 = arith.constant 2 : i32
    %dma_wait3A_226 = arith.constant 256 : i32
    %dma_wait3A_227 = arith.constant 0 : i32
    %dma_wait3A_228 = tpu.memref_slice %arg13[%dma_wait3A_226, %dma_wait3A_227] : memref<512x32xf32, #tpu.memory_space<vmem>> -> memref<128x32xf32, #tpu.memory_space<vmem>>
    %dma_wait3A_229 = arith.constant 0 : i32
    %dma_wait3A_230 = tpu.memref_slice %arg11[%dma_wait3A_225, %dma_wait3A_229] : memref<4x128xi32, #tpu.memory_space<vmem>> -> memref<1x128xi32, #tpu.memory_space<vmem>>
    %dma_wait3A_231 = tpu.memref_squeeze %dma_wait3A_230 : memref<1x128xi32, #tpu.memory_space<vmem>> -> memref<128xi32, #tpu.memory_space<vmem>>
    %dma_wait3A_232 = arith.constant 0 : i32
    %dma_wait3A_233 = arith.constant 0 : i32
    %dma_wait3A_234 = tpu.memref_slice %arg5[%dma_wait3A_232, %dma_wait3A_233] : memref<1000000x32xf32, #tpu.memory_space<hbm>> -> memref<1000000x32xf32, #tpu.memory_space<hbm>>
    tpu.wait_indirect_dma semaphore(%arg19 : memref<!tpu.dma_semaphore, #tpu.memory_space<semaphore_mem>>) src(%dma_wait3A_234 : memref<1000000x32xf32, #tpu.memory_space<hbm>>) dst(%dma_wait3A_228 : memref<128x32xf32, #tpu.memory_space<vmem>>)
    %dma_wait3A_235 = arith.constant 2 : i32
    %dma_wait3A_236 = arith.constant 256 : i32
    %dma_wait3A_237 = tpu.memref_slice %arg14[%dma_wait3A_236] : memref<512xf32, #tpu.memory_space<vmem>> -> memref<128xf32, #tpu.memory_space<vmem>>
    %dma_wait3A_238 = arith.constant 0 : i32
    %dma_wait3A_239 = tpu.memref_slice %arg10[%dma_wait3A_235, %dma_wait3A_238] : memref<4x128xi32, #tpu.memory_space<vmem>> -> memref<1x128xi32, #tpu.memory_space<vmem>>
    %dma_wait3A_240 = tpu.memref_squeeze %dma_wait3A_239 : memref<1x128xi32, #tpu.memory_space<vmem>> -> memref<128xi32, #tpu.memory_space<vmem>>
    %dma_wait3A_241 = arith.constant 0 : i32
    %dma_wait3A_242 = tpu.memref_slice %arg6[%dma_wait3A_241] : memref<1000000xf32, #tpu.memory_space<hbm>> -> memref<1000000xf32, #tpu.memory_space<hbm>>
    tpu.wait_indirect_dma semaphore(%arg20 : memref<!tpu.dma_semaphore, #tpu.memory_space<semaphore_mem>>) src(%dma_wait3A_242 : memref<1000000xf32, #tpu.memory_space<hbm>>) dst(%dma_wait3A_237 : memref<128xf32, #tpu.memory_space<vmem>>)
    %dma_wait3A_243 = arith.constant 2 : i32
    %dma_wait3A_244 = arith.constant 256 : i32
    %dma_wait3A_245 = tpu.memref_slice %arg15[%dma_wait3A_244] : memref<512xf32, #tpu.memory_space<vmem>> -> memref<128xf32, #tpu.memory_space<vmem>>
    %dma_wait3A_246 = arith.constant 0 : i32
    %dma_wait3A_247 = tpu.memref_slice %arg11[%dma_wait3A_243, %dma_wait3A_246] : memref<4x128xi32, #tpu.memory_space<vmem>> -> memref<1x128xi32, #tpu.memory_space<vmem>>
    %dma_wait3A_248 = tpu.memref_squeeze %dma_wait3A_247 : memref<1x128xi32, #tpu.memory_space<vmem>> -> memref<128xi32, #tpu.memory_space<vmem>>
    %dma_wait3A_249 = arith.constant 0 : i32
    %dma_wait3A_250 = tpu.memref_slice %arg7[%dma_wait3A_249] : memref<1000000xf32, #tpu.memory_space<hbm>> -> memref<1000000xf32, #tpu.memory_space<hbm>>
    tpu.wait_indirect_dma semaphore(%arg21 : memref<!tpu.dma_semaphore, #tpu.memory_space<semaphore_mem>>) src(%dma_wait3A_250 : memref<1000000xf32, #tpu.memory_space<hbm>>) dst(%dma_wait3A_245 : memref<128xf32, #tpu.memory_space<vmem>>)
    %dma_wait3A_251 = arith.constant 3 : i32
    %dma_wait3A_252 = arith.constant 384 : i32
    %dma_wait3A_253 = arith.constant 0 : i32
    %dma_wait3A_254 = tpu.memref_slice %arg12[%dma_wait3A_252, %dma_wait3A_253] : memref<512x32xf32, #tpu.memory_space<vmem>> -> memref<128x32xf32, #tpu.memory_space<vmem>>
    %dma_wait3A_255 = arith.constant 0 : i32
    %dma_wait3A_256 = tpu.memref_slice %arg10[%dma_wait3A_251, %dma_wait3A_255] : memref<4x128xi32, #tpu.memory_space<vmem>> -> memref<1x128xi32, #tpu.memory_space<vmem>>
    %dma_wait3A_257 = tpu.memref_squeeze %dma_wait3A_256 : memref<1x128xi32, #tpu.memory_space<vmem>> -> memref<128xi32, #tpu.memory_space<vmem>>
    %dma_wait3A_258 = arith.constant 0 : i32
    %dma_wait3A_259 = arith.constant 0 : i32
    %dma_wait3A_260 = tpu.memref_slice %arg4[%dma_wait3A_258, %dma_wait3A_259] : memref<1000000x32xf32, #tpu.memory_space<hbm>> -> memref<1000000x32xf32, #tpu.memory_space<hbm>>
    tpu.wait_indirect_dma semaphore(%arg18 : memref<!tpu.dma_semaphore, #tpu.memory_space<semaphore_mem>>) src(%dma_wait3A_260 : memref<1000000x32xf32, #tpu.memory_space<hbm>>) dst(%dma_wait3A_254 : memref<128x32xf32, #tpu.memory_space<vmem>>)
    %dma_wait3A_261 = arith.constant 3 : i32
    %dma_wait3A_262 = arith.constant 384 : i32
    %dma_wait3A_263 = arith.constant 0 : i32
    %dma_wait3A_264 = tpu.memref_slice %arg13[%dma_wait3A_262, %dma_wait3A_263] : memref<512x32xf32, #tpu.memory_space<vmem>> -> memref<128x32xf32, #tpu.memory_space<vmem>>
    %dma_wait3A_265 = arith.constant 0 : i32
    %dma_wait3A_266 = tpu.memref_slice %arg11[%dma_wait3A_261, %dma_wait3A_265] : memref<4x128xi32, #tpu.memory_space<vmem>> -> memref<1x128xi32, #tpu.memory_space<vmem>>
    %dma_wait3A_267 = tpu.memref_squeeze %dma_wait3A_266 : memref<1x128xi32, #tpu.memory_space<vmem>> -> memref<128xi32, #tpu.memory_space<vmem>>
    %dma_wait3A_268 = arith.constant 0 : i32
    %dma_wait3A_269 = arith.constant 0 : i32
    %dma_wait3A_270 = tpu.memref_slice %arg5[%dma_wait3A_268, %dma_wait3A_269] : memref<1000000x32xf32, #tpu.memory_space<hbm>> -> memref<1000000x32xf32, #tpu.memory_space<hbm>>
    tpu.wait_indirect_dma semaphore(%arg19 : memref<!tpu.dma_semaphore, #tpu.memory_space<semaphore_mem>>) src(%dma_wait3A_270 : memref<1000000x32xf32, #tpu.memory_space<hbm>>) dst(%dma_wait3A_264 : memref<128x32xf32, #tpu.memory_space<vmem>>)
    %dma_wait3A_271 = arith.constant 3 : i32
    %dma_wait3A_272 = arith.constant 384 : i32
    %dma_wait3A_273 = tpu.memref_slice %arg14[%dma_wait3A_272] : memref<512xf32, #tpu.memory_space<vmem>> -> memref<128xf32, #tpu.memory_space<vmem>>
    %dma_wait3A_274 = arith.constant 0 : i32
    %dma_wait3A_275 = tpu.memref_slice %arg10[%dma_wait3A_271, %dma_wait3A_274] : memref<4x128xi32, #tpu.memory_space<vmem>> -> memref<1x128xi32, #tpu.memory_space<vmem>>
    %dma_wait3A_276 = tpu.memref_squeeze %dma_wait3A_275 : memref<1x128xi32, #tpu.memory_space<vmem>> -> memref<128xi32, #tpu.memory_space<vmem>>
    %dma_wait3A_277 = arith.constant 0 : i32
    %dma_wait3A_278 = tpu.memref_slice %arg6[%dma_wait3A_277] : memref<1000000xf32, #tpu.memory_space<hbm>> -> memref<1000000xf32, #tpu.memory_space<hbm>>
    tpu.wait_indirect_dma semaphore(%arg20 : memref<!tpu.dma_semaphore, #tpu.memory_space<semaphore_mem>>) src(%dma_wait3A_278 : memref<1000000xf32, #tpu.memory_space<hbm>>) dst(%dma_wait3A_273 : memref<128xf32, #tpu.memory_space<vmem>>)
    %dma_wait3A_279 = arith.constant 3 : i32
    %dma_wait3A_280 = arith.constant 384 : i32
    %dma_wait3A_281 = tpu.memref_slice %arg15[%dma_wait3A_280] : memref<512xf32, #tpu.memory_space<vmem>> -> memref<128xf32, #tpu.memory_space<vmem>>
    %dma_wait3A_282 = arith.constant 0 : i32
    %dma_wait3A_283 = tpu.memref_slice %arg11[%dma_wait3A_279, %dma_wait3A_282] : memref<4x128xi32, #tpu.memory_space<vmem>> -> memref<1x128xi32, #tpu.memory_space<vmem>>
    %dma_wait3A_284 = tpu.memref_squeeze %dma_wait3A_283 : memref<1x128xi32, #tpu.memory_space<vmem>> -> memref<128xi32, #tpu.memory_space<vmem>>
    %dma_wait3A_285 = arith.constant 0 : i32
    %dma_wait3A_286 = tpu.memref_slice %arg7[%dma_wait3A_285] : memref<1000000xf32, #tpu.memory_space<hbm>> -> memref<1000000xf32, #tpu.memory_space<hbm>>
    tpu.wait_indirect_dma semaphore(%arg21 : memref<!tpu.dma_semaphore, #tpu.memory_space<semaphore_mem>>) src(%dma_wait3A_286 : memref<1000000xf32, #tpu.memory_space<hbm>>) dst(%dma_wait3A_281 : memref<128xf32, #tpu.memory_space<vmem>>)
    %get3A = arith.constant 0 : index
    %get3A_287 = tpu.vector_load %arg17[%get3A] {strides = array<i32>} : memref<16xf32, #tpu.memory_space<vmem>>, vector<16xf32>,
    %iota3A = tpu.iota {dimensions = array<i32: 0>} : vector<16xi32>
    %scan3A = arith.constant 0 : i32
    %scan3A_288 = arith.constant 32 : i32
    %scan3A_289 = arith.addi %scan3A, %scan3A_288 : i32
    %scan3A_290 = arith.constant 1 : i32
    scf.for %scan3A_294 = %scan3A to %scan3A_289 step %scan3A_290  : i32 {
      %mul3A_295 = arith.constant 16 : i32
      %mul3A_296 = arith.muli %scan3A_294, %mul3A_295 : i32
      %add3A_297 = arith.constant 0 : i32
      %add3A_298 = arith.addi %add3A_297, %mul3A_296 : i32
      %broadcast_in_dim3A = arith.constant 0.000000e+00 : f32
      %broadcast_in_dim3A_299 = vector.broadcast %broadcast_in_dim3A : f32 to vector<16xf32>
      %add3A_300 = arith.constant 0 : i32
      %add3A_301 = arith.addi %add3A_298, %add3A_300 : i32
      %get3A_302 = arith.index_cast %add3A_301 : i32 to index
      %get3A_303 = arith.constant 0 : index
      %get3A_304 = tpu.vector_load %arg12[%get3A_302, %get3A_303] {strides = array<i32>} : memref<512x32xf32, #tpu.memory_space<vmem>>, vector<16xf32>,
      %get3A_305 = arith.index_cast %add3A_301 : i32 to index
      %get3A_306 = arith.constant 16 : index
      %get3A_307 = tpu.vector_load %arg12[%get3A_305, %get3A_306] {strides = array<i32>} : memref<512x32xf32, #tpu.memory_space<vmem>>, vector<16xf32>,
      %get3A_308 = arith.index_cast %add3A_301 : i32 to index
      %get3A_309 = arith.constant 0 : index
      %get3A_310 = tpu.vector_load %arg13[%get3A_308, %get3A_309] {strides = array<i32>} : memref<512x32xf32, #tpu.memory_space<vmem>>, vector<16xf32>,
      %get3A_311 = arith.index_cast %add3A_301 : i32 to index
      %get3A_312 = arith.constant 16 : index
      %get3A_313 = tpu.vector_load %arg13[%get3A_311, %get3A_312] {strides = array<i32>} : memref<512x32xf32, #tpu.memory_space<vmem>>, vector<16xf32>,
      %mul3A_314 = arith.mulf %get3A_304, %get3A_310 : vector<16xf32>
      %mul3A_315 = arith.mulf %get3A_307, %get3A_313 : vector<16xf32>
      %add3A_316 = arith.addf %mul3A_314, %mul3A_315 : vector<16xf32>
      %reduce_sum3A = arith.constant true
      %reduce_sum3A_317 = vector.broadcast %reduce_sum3A : i1 to vector<16xi1>
      %reduce_sum3A_318 = tpu.scan <sum>, %add3A_316 masked %reduce_sum3A_317 : vector<16xf32>, vector<16xi1> -> vector<16xf32>
      %reduce_sum3A_319 = vector.extract %reduce_sum3A_318[15] : f32 from vector<16xf32>
      %eq3A = arith.constant 0 : i32
      %eq3A_320 = vector.broadcast %eq3A : i32 to vector<16xi32>
      %eq3A_321 = arith.cmpi eq, %iota3A, %eq3A_320 : vector<16xi32>
      %broadcast_in_dim3A_322 = vector.broadcast %reduce_sum3A_319 : f32 to vector<16xf32>
      %select_n3A = arith.select %eq3A_321, %broadcast_in_dim3A_322, %broadcast_in_dim3A_299 : vector<16xi1>, vector<16xf32>
      %add3A_323 = arith.constant 1 : i32
      %add3A_324 = arith.addi %add3A_298, %add3A_323 : i32
      %get3A_325 = arith.index_cast %add3A_324 : i32 to index
      %get3A_326 = arith.constant 0 : index
      %get3A_327 = tpu.vector_load %arg12[%get3A_325, %get3A_326] {strides = array<i32>} : memref<512x32xf32, #tpu.memory_space<vmem>>, vector<16xf32>,
      %get3A_328 = arith.index_cast %add3A_324 : i32 to index
      %get3A_329 = arith.constant 16 : index
      %get3A_330 = tpu.vector_load %arg12[%get3A_328, %get3A_329] {strides = array<i32>} : memref<512x32xf32, #tpu.memory_space<vmem>>, vector<16xf32>,
      %get3A_331 = arith.index_cast %add3A_324 : i32 to index
      %get3A_332 = arith.constant 0 : index
      %get3A_333 = tpu.vector_load %arg13[%get3A_331, %get3A_332] {strides = array<i32>} : memref<512x32xf32, #tpu.memory_space<vmem>>, vector<16xf32>,
      %get3A_334 = arith.index_cast %add3A_324 : i32 to index
      %get3A_335 = arith.constant 16 : index
      %get3A_336 = tpu.vector_load %arg13[%get3A_334, %get3A_335] {strides = array<i32>} : memref<512x32xf32, #tpu.memory_space<vmem>>, vector<16xf32>,
      %mul3A_337 = arith.mulf %get3A_327, %get3A_333 : vector<16xf32>
      %mul3A_338 = arith.mulf %get3A_330, %get3A_336 : vector<16xf32>
      %add3A_339 = arith.addf %mul3A_337, %mul3A_338 : vector<16xf32>
      %reduce_sum3A_340 = arith.constant true
      %reduce_sum3A_341 = vector.broadcast %reduce_sum3A_340 : i1 to vector<16xi1>
      %reduce_sum3A_342 = tpu.scan <sum>, %add3A_339 masked %reduce_sum3A_341 : vector<16xf32>, vector<16xi1> -> vector<16xf32>
      %reduce_sum3A_343 = vector.extract %reduce_sum3A_342[15] : f32 from vector<16xf32>
      %eq3A_344 = arith.constant 1 : i32
      %eq3A_345 = vector.broadcast %eq3A_344 : i32 to vector<16xi32>
      %eq3A_346 = arith.cmpi eq, %iota3A, %eq3A_345 : vector<16xi32>
      %broadcast_in_dim3A_347 = vector.broadcast %reduce_sum3A_343 : f32 to vector<16xf32>
      %select_n3A_348 = arith.select %eq3A_346, %broadcast_in_dim3A_347, %select_n3A : vector<16xi1>, vector<16xf32>
      %add3A_349 = arith.constant 2 : i32
      %add3A_350 = arith.addi %add3A_298, %add3A_349 : i32
      %get3A_351 = arith.index_cast %add3A_350 : i32 to index
      %get3A_352 = arith.constant 0 : index
      %get3A_353 = tpu.vector_load %arg12[%get3A_351, %get3A_352] {strides = array<i32>} : memref<512x32xf32, #tpu.memory_space<vmem>>, vector<16xf32>,
      %get3A_354 = arith.index_cast %add3A_350 : i32 to index
      %get3A_355 = arith.constant 16 : index
      %get3A_356 = tpu.vector_load %arg12[%get3A_354, %get3A_355] {strides = array<i32>} : memref<512x32xf32, #tpu.memory_space<vmem>>, vector<16xf32>,
      %get3A_357 = arith.index_cast %add3A_350 : i32 to index
      %get3A_358 = arith.constant 0 : index
      %get3A_359 = tpu.vector_load %arg13[%get3A_357, %get3A_358] {strides = array<i32>} : memref<512x32xf32, #tpu.memory_space<vmem>>, vector<16xf32>,
      %get3A_360 = arith.index_cast %add3A_350 : i32 to index
      %get3A_361 = arith.constant 16 : index
      %get3A_362 = tpu.vector_load %arg13[%get3A_360, %get3A_361] {strides = array<i32>} : memref<512x32xf32, #tpu.memory_space<vmem>>, vector<16xf32>,
      %mul3A_363 = arith.mulf %get3A_353, %get3A_359 : vector<16xf32>
      %mul3A_364 = arith.mulf %get3A_356, %get3A_362 : vector<16xf32>
      %add3A_365 = arith.addf %mul3A_363, %mul3A_364 : vector<16xf32>
      %reduce_sum3A_366 = arith.constant true
      %reduce_sum3A_367 = vector.broadcast %reduce_sum3A_366 : i1 to vector<16xi1>
      %reduce_sum3A_368 = tpu.scan <sum>, %add3A_365 masked %reduce_sum3A_367 : vector<16xf32>, vector<16xi1> -> vector<16xf32>
      %reduce_sum3A_369 = vector.extract %reduce_sum3A_368[15] : f32 from vector<16xf32>
      %eq3A_370 = arith.constant 2 : i32
      %eq3A_371 = vector.broadcast %eq3A_370 : i32 to vector<16xi32>
      %eq3A_372 = arith.cmpi eq, %iota3A, %eq3A_371 : vector<16xi32>
      %broadcast_in_dim3A_373 = vector.broadcast %reduce_sum3A_369 : f32 to vector<16xf32>
      %select_n3A_374 = arith.select %eq3A_372, %broadcast_in_dim3A_373, %select_n3A_348 : vector<16xi1>, vector<16xf32>
      %add3A_375 = arith.constant 3 : i32
      %add3A_376 = arith.addi %add3A_298, %add3A_375 : i32
      %get3A_377 = arith.index_cast %add3A_376 : i32 to index
      %get3A_378 = arith.constant 0 : index
      %get3A_379 = tpu.vector_load %arg12[%get3A_377, %get3A_378] {strides = array<i32>} : memref<512x32xf32, #tpu.memory_space<vmem>>, vector<16xf32>,
      %get3A_380 = arith.index_cast %add3A_376 : i32 to index
      %get3A_381 = arith.constant 16 : index
      %get3A_382 = tpu.vector_load %arg12[%get3A_380, %get3A_381] {strides = array<i32>} : memref<512x32xf32, #tpu.memory_space<vmem>>, vector<16xf32>,
      %get3A_383 = arith.index_cast %add3A_376 : i32 to index
      %get3A_384 = arith.constant 0 : index
      %get3A_385 = tpu.vector_load %arg13[%get3A_383, %get3A_384] {strides = array<i32>} : memref<512x32xf32, #tpu.memory_space<vmem>>, vector<16xf32>,
      %get3A_386 = arith.index_cast %add3A_376 : i32 to index
      %get3A_387 = arith.constant 16 : index
      %get3A_388 = tpu.vector_load %arg13[%get3A_386, %get3A_387] {strides = array<i32>} : memref<512x32xf32, #tpu.memory_space<vmem>>, vector<16xf32>,
      %mul3A_389 = arith.mulf %get3A_379, %get3A_385 : vector<16xf32>
      %mul3A_390 = arith.mulf %get3A_382, %get3A_388 : vector<16xf32>
      %add3A_391 = arith.addf %mul3A_389, %mul3A_390 : vector<16xf32>
      %reduce_sum3A_392 = arith.constant true
      %reduce_sum3A_393 = vector.broadcast %reduce_sum3A_392 : i1 to vector<16xi1>
      %reduce_sum3A_394 = tpu.scan <sum>, %add3A_391 masked %reduce_sum3A_393 : vector<16xf32>, vector<16xi1> -> vector<16xf32>
      %reduce_sum3A_395 = vector.extract %reduce_sum3A_394[15] : f32 from vector<16xf32>
      %eq3A_396 = arith.constant 3 : i32
      %eq3A_397 = vector.broadcast %eq3A_396 : i32 to vector<16xi32>
      %eq3A_398 = arith.cmpi eq, %iota3A, %eq3A_397 : vector<16xi32>
      %broadcast_in_dim3A_399 = vector.broadcast %reduce_sum3A_395 : f32 to vector<16xf32>
      %select_n3A_400 = arith.select %eq3A_398, %broadcast_in_dim3A_399, %select_n3A_374 : vector<16xi1>, vector<16xf32>
      %add3A_401 = arith.constant 4 : i32
      %add3A_402 = arith.addi %add3A_298, %add3A_401 : i32
      %get3A_403 = arith.index_cast %add3A_402 : i32 to index
      %get3A_404 = arith.constant 0 : index
      %get3A_405 = tpu.vector_load %arg12[%get3A_403, %get3A_404] {strides = array<i32>} : memref<512x32xf32, #tpu.memory_space<vmem>>, vector<16xf32>,
      %get3A_406 = arith.index_cast %add3A_402 : i32 to index
      %get3A_407 = arith.constant 16 : index
      %get3A_408 = tpu.vector_load %arg12[%get3A_406, %get3A_407] {strides = array<i32>} : memref<512x32xf32, #tpu.memory_space<vmem>>, vector<16xf32>,
      %get3A_409 = arith.index_cast %add3A_402 : i32 to index
      %get3A_410 = arith.constant 0 : index
      %get3A_411 = tpu.vector_load %arg13[%get3A_409, %get3A_410] {strides = array<i32>} : memref<512x32xf32, #tpu.memory_space<vmem>>, vector<16xf32>,
      %get3A_412 = arith.index_cast %add3A_402 : i32 to index
      %get3A_413 = arith.constant 16 : index
      %get3A_414 = tpu.vector_load %arg13[%get3A_412, %get3A_413] {strides = array<i32>} : memref<512x32xf32, #tpu.memory_space<vmem>>, vector<16xf32>,
      %mul3A_415 = arith.mulf %get3A_405, %get3A_411 : vector<16xf32>
      %mul3A_416 = arith.mulf %get3A_408, %get3A_414 : vector<16xf32>
      %add3A_417 = arith.addf %mul3A_415, %mul3A_416 : vector<16xf32>
      %reduce_sum3A_418 = arith.constant true
      %reduce_sum3A_419 = vector.broadcast %reduce_sum3A_418 : i1 to vector<16xi1>
      %reduce_sum3A_420 = tpu.scan <sum>, %add3A_417 masked %reduce_sum3A_419 : vector<16xf32>, vector<16xi1> -> vector<16xf32>
      %reduce_sum3A_421 = vector.extract %reduce_sum3A_420[15] : f32 from vector<16xf32>
      %eq3A_422 = arith.constant 4 : i32
      %eq3A_423 = vector.broadcast %eq3A_422 : i32 to vector<16xi32>
      %eq3A_424 = arith.cmpi eq, %iota3A, %eq3A_423 : vector<16xi32>
      %broadcast_in_dim3A_425 = vector.broadcast %reduce_sum3A_421 : f32 to vector<16xf32>
      %select_n3A_426 = arith.select %eq3A_424, %broadcast_in_dim3A_425, %select_n3A_400 : vector<16xi1>, vector<16xf32>
      %add3A_427 = arith.constant 5 : i32
      %add3A_428 = arith.addi %add3A_298, %add3A_427 : i32
      %get3A_429 = arith.index_cast %add3A_428 : i32 to index
      %get3A_430 = arith.constant 0 : index
      %get3A_431 = tpu.vector_load %arg12[%get3A_429, %get3A_430] {strides = array<i32>} : memref<512x32xf32, #tpu.memory_space<vmem>>, vector<16xf32>,
      %get3A_432 = arith.index_cast %add3A_428 : i32 to index
      %get3A_433 = arith.constant 16 : index
      %get3A_434 = tpu.vector_load %arg12[%get3A_432, %get3A_433] {strides = array<i32>} : memref<512x32xf32, #tpu.memory_space<vmem>>, vector<16xf32>,
      %get3A_435 = arith.index_cast %add3A_428 : i32 to index
      %get3A_436 = arith.constant 0 : index
      %get3A_437 = tpu.vector_load %arg13[%get3A_435, %get3A_436] {strides = array<i32>} : memref<512x32xf32, #tpu.memory_space<vmem>>, vector<16xf32>,
      %get3A_438 = arith.index_cast %add3A_428 : i32 to index
      %get3A_439 = arith.constant 16 : index
      %get3A_440 = tpu.vector_load %arg13[%get3A_438, %get3A_439] {strides = array<i32>} : memref<512x32xf32, #tpu.memory_space<vmem>>, vector<16xf32>,
      %mul3A_441 = arith.mulf %get3A_431, %get3A_437 : vector<16xf32>
      %mul3A_442 = arith.mulf %get3A_434, %get3A_440 : vector<16xf32>
      %add3A_443 = arith.addf %mul3A_441, %mul3A_442 : vector<16xf32>
      %reduce_sum3A_444 = arith.constant true
      %reduce_sum3A_445 = vector.broadcast %reduce_sum3A_444 : i1 to vector<16xi1>
      %reduce_sum3A_446 = tpu.scan <sum>, %add3A_443 masked %reduce_sum3A_445 : vector<16xf32>, vector<16xi1> -> vector<16xf32>
      %reduce_sum3A_447 = vector.extract %reduce_sum3A_446[15] : f32 from vector<16xf32>
      %eq3A_448 = arith.constant 5 : i32
      %eq3A_449 = vector.broadcast %eq3A_448 : i32 to vector<16xi32>
      %eq3A_450 = arith.cmpi eq, %iota3A, %eq3A_449 : vector<16xi32>
      %broadcast_in_dim3A_451 = vector.broadcast %reduce_sum3A_447 : f32 to vector<16xf32>
      %select_n3A_452 = arith.select %eq3A_450, %broadcast_in_dim3A_451, %select_n3A_426 : vector<16xi1>, vector<16xf32>
      %add3A_453 = arith.constant 6 : i32
      %add3A_454 = arith.addi %add3A_298, %add3A_453 : i32
      %get3A_455 = arith.index_cast %add3A_454 : i32 to index
      %get3A_456 = arith.constant 0 : index
      %get3A_457 = tpu.vector_load %arg12[%get3A_455, %get3A_456] {strides = array<i32>} : memref<512x32xf32, #tpu.memory_space<vmem>>, vector<16xf32>,
      %get3A_458 = arith.index_cast %add3A_454 : i32 to index
      %get3A_459 = arith.constant 16 : index
      %get3A_460 = tpu.vector_load %arg12[%get3A_458, %get3A_459] {strides = array<i32>} : memref<512x32xf32, #tpu.memory_space<vmem>>, vector<16xf32>,
      %get3A_461 = arith.index_cast %add3A_454 : i32 to index
      %get3A_462 = arith.constant 0 : index
      %get3A_463 = tpu.vector_load %arg13[%get3A_461, %get3A_462] {strides = array<i32>} : memref<512x32xf32, #tpu.memory_space<vmem>>, vector<16xf32>,
      %get3A_464 = arith.index_cast %add3A_454 : i32 to index
      %get3A_465 = arith.constant 16 : index
      %get3A_466 = tpu.vector_load %arg13[%get3A_464, %get3A_465] {strides = array<i32>} : memref<512x32xf32, #tpu.memory_space<vmem>>, vector<16xf32>,
      %mul3A_467 = arith.mulf %get3A_457, %get3A_463 : vector<16xf32>
      %mul3A_468 = arith.mulf %get3A_460, %get3A_466 : vector<16xf32>
      %add3A_469 = arith.addf %mul3A_467, %mul3A_468 : vector<16xf32>
      %reduce_sum3A_470 = arith.constant true
      %reduce_sum3A_471 = vector.broadcast %reduce_sum3A_470 : i1 to vector<16xi1>
      %reduce_sum3A_472 = tpu.scan <sum>, %add3A_469 masked %reduce_sum3A_471 : vector<16xf32>, vector<16xi1> -> vector<16xf32>
      %reduce_sum3A_473 = vector.extract %reduce_sum3A_472[15] : f32 from vector<16xf32>
      %eq3A_474 = arith.constant 6 : i32
      %eq3A_475 = vector.broadcast %eq3A_474 : i32 to vector<16xi32>
      %eq3A_476 = arith.cmpi eq, %iota3A, %eq3A_475 : vector<16xi32>
      %broadcast_in_dim3A_477 = vector.broadcast %reduce_sum3A_473 : f32 to vector<16xf32>
      %select_n3A_478 = arith.select %eq3A_476, %broadcast_in_dim3A_477, %select_n3A_452 : vector<16xi1>, vector<16xf32>
      %add3A_479 = arith.constant 7 : i32
      %add3A_480 = arith.addi %add3A_298, %add3A_479 : i32
      %get3A_481 = arith.index_cast %add3A_480 : i32 to index
      %get3A_482 = arith.constant 0 : index
      %get3A_483 = tpu.vector_load %arg12[%get3A_481, %get3A_482] {strides = array<i32>} : memref<512x32xf32, #tpu.memory_space<vmem>>, vector<16xf32>,
      %get3A_484 = arith.index_cast %add3A_480 : i32 to index
      %get3A_485 = arith.constant 16 : index
      %get3A_486 = tpu.vector_load %arg12[%get3A_484, %get3A_485] {strides = array<i32>} : memref<512x32xf32, #tpu.memory_space<vmem>>, vector<16xf32>,
      %get3A_487 = arith.index_cast %add3A_480 : i32 to index
      %get3A_488 = arith.constant 0 : index
      %get3A_489 = tpu.vector_load %arg13[%get3A_487, %get3A_488] {strides = array<i32>} : memref<512x32xf32, #tpu.memory_space<vmem>>, vector<16xf32>,
      %get3A_490 = arith.index_cast %add3A_480 : i32 to index
      %get3A_491 = arith.constant 16 : index
      %get3A_492 = tpu.vector_load %arg13[%get3A_490, %get3A_491] {strides = array<i32>} : memref<512x32xf32, #tpu.memory_space<vmem>>, vector<16xf32>,
      %mul3A_493 = arith.mulf %get3A_483, %get3A_489 : vector<16xf32>
      %mul3A_494 = arith.mulf %get3A_486, %get3A_492 : vector<16xf32>
      %add3A_495 = arith.addf %mul3A_493, %mul3A_494 : vector<16xf32>
      %reduce_sum3A_496 = arith.constant true
      %reduce_sum3A_497 = vector.broadcast %reduce_sum3A_496 : i1 to vector<16xi1>
      %reduce_sum3A_498 = tpu.scan <sum>, %add3A_495 masked %reduce_sum3A_497 : vector<16xf32>, vector<16xi1> -> vector<16xf32>
      %reduce_sum3A_499 = vector.extract %reduce_sum3A_498[15] : f32 from vector<16xf32>
      %eq3A_500 = arith.constant 7 : i32
      %eq3A_501 = vector.broadcast %eq3A_500 : i32 to vector<16xi32>
      %eq3A_502 = arith.cmpi eq, %iota3A, %eq3A_501 : vector<16xi32>
      %broadcast_in_dim3A_503 = vector.broadcast %reduce_sum3A_499 : f32 to vector<16xf32>
      %select_n3A_504 = arith.select %eq3A_502, %broadcast_in_dim3A_503, %select_n3A_478 : vector<16xi1>, vector<16xf32>
      %add3A_505 = arith.constant 8 : i32
      %add3A_506 = arith.addi %add3A_298, %add3A_505 : i32
      %get3A_507 = arith.index_cast %add3A_506 : i32 to index
      %get3A_508 = arith.constant 0 : index
      %get3A_509 = tpu.vector_load %arg12[%get3A_507, %get3A_508] {strides = array<i32>} : memref<512x32xf32, #tpu.memory_space<vmem>>, vector<16xf32>,
      %get3A_510 = arith.index_cast %add3A_506 : i32 to index
      %get3A_511 = arith.constant 16 : index
      %get3A_512 = tpu.vector_load %arg12[%get3A_510, %get3A_511] {strides = array<i32>} : memref<512x32xf32, #tpu.memory_space<vmem>>, vector<16xf32>,
      %get3A_513 = arith.index_cast %add3A_506 : i32 to index
      %get3A_514 = arith.constant 0 : index
      %get3A_515 = tpu.vector_load %arg13[%get3A_513, %get3A_514] {strides = array<i32>} : memref<512x32xf32, #tpu.memory_space<vmem>>, vector<16xf32>,
      %get3A_516 = arith.index_cast %add3A_506 : i32 to index
      %get3A_517 = arith.constant 16 : index
      %get3A_518 = tpu.vector_load %arg13[%get3A_516, %get3A_517] {strides = array<i32>} : memref<512x32xf32, #tpu.memory_space<vmem>>, vector<16xf32>,
      %mul3A_519 = arith.mulf %get3A_509, %get3A_515 : vector<16xf32>
      %mul3A_520 = arith.mulf %get3A_512, %get3A_518 : vector<16xf32>
      %add3A_521 = arith.addf %mul3A_519, %mul3A_520 : vector<16xf32>
      %reduce_sum3A_522 = arith.constant true
      %reduce_sum3A_523 = vector.broadcast %reduce_sum3A_522 : i1 to vector<16xi1>
      %reduce_sum3A_524 = tpu.scan <sum>, %add3A_521 masked %reduce_sum3A_523 : vector<16xf32>, vector<16xi1> -> vector<16xf32>
      %reduce_sum3A_525 = vector.extract %reduce_sum3A_524[15] : f32 from vector<16xf32>
      %eq3A_526 = arith.constant 8 : i32
      %eq3A_527 = vector.broadcast %eq3A_526 : i32 to vector<16xi32>
      %eq3A_528 = arith.cmpi eq, %iota3A, %eq3A_527 : vector<16xi32>
      %broadcast_in_dim3A_529 = vector.broadcast %reduce_sum3A_525 : f32 to vector<16xf32>
      %select_n3A_530 = arith.select %eq3A_528, %broadcast_in_dim3A_529, %select_n3A_504 : vector<16xi1>, vector<16xf32>
      %add3A_531 = arith.constant 9 : i32
      %add3A_532 = arith.addi %add3A_298, %add3A_531 : i32
      %get3A_533 = arith.index_cast %add3A_532 : i32 to index
      %get3A_534 = arith.constant 0 : index
      %get3A_535 = tpu.vector_load %arg12[%get3A_533, %get3A_534] {strides = array<i32>} : memref<512x32xf32, #tpu.memory_space<vmem>>, vector<16xf32>,
      %get3A_536 = arith.index_cast %add3A_532 : i32 to index
      %get3A_537 = arith.constant 16 : index
      %get3A_538 = tpu.vector_load %arg12[%get3A_536, %get3A_537] {strides = array<i32>} : memref<512x32xf32, #tpu.memory_space<vmem>>, vector<16xf32>,
      %get3A_539 = arith.index_cast %add3A_532 : i32 to index
      %get3A_540 = arith.constant 0 : index
      %get3A_541 = tpu.vector_load %arg13[%get3A_539, %get3A_540] {strides = array<i32>} : memref<512x32xf32, #tpu.memory_space<vmem>>, vector<16xf32>,
      %get3A_542 = arith.index_cast %add3A_532 : i32 to index
      %get3A_543 = arith.constant 16 : index
      %get3A_544 = tpu.vector_load %arg13[%get3A_542, %get3A_543] {strides = array<i32>} : memref<512x32xf32, #tpu.memory_space<vmem>>, vector<16xf32>,
      %mul3A_545 = arith.mulf %get3A_535, %get3A_541 : vector<16xf32>
      %mul3A_546 = arith.mulf %get3A_538, %get3A_544 : vector<16xf32>
      %add3A_547 = arith.addf %mul3A_545, %mul3A_546 : vector<16xf32>
      %reduce_sum3A_548 = arith.constant true
      %reduce_sum3A_549 = vector.broadcast %reduce_sum3A_548 : i1 to vector<16xi1>
      %reduce_sum3A_550 = tpu.scan <sum>, %add3A_547 masked %reduce_sum3A_549 : vector<16xf32>, vector<16xi1> -> vector<16xf32>
      %reduce_sum3A_551 = vector.extract %reduce_sum3A_550[15] : f32 from vector<16xf32>
      %eq3A_552 = arith.constant 9 : i32
      %eq3A_553 = vector.broadcast %eq3A_552 : i32 to vector<16xi32>
      %eq3A_554 = arith.cmpi eq, %iota3A, %eq3A_553 : vector<16xi32>
      %broadcast_in_dim3A_555 = vector.broadcast %reduce_sum3A_551 : f32 to vector<16xf32>
      %select_n3A_556 = arith.select %eq3A_554, %broadcast_in_dim3A_555, %select_n3A_530 : vector<16xi1>, vector<16xf32>
      %add3A_557 = arith.constant 10 : i32
      %add3A_558 = arith.addi %add3A_298, %add3A_557 : i32
      %get3A_559 = arith.index_cast %add3A_558 : i32 to index
      %get3A_560 = arith.constant 0 : index
      %get3A_561 = tpu.vector_load %arg12[%get3A_559, %get3A_560] {strides = array<i32>} : memref<512x32xf32, #tpu.memory_space<vmem>>, vector<16xf32>,
      %get3A_562 = arith.index_cast %add3A_558 : i32 to index
      %get3A_563 = arith.constant 16 : index
      %get3A_564 = tpu.vector_load %arg12[%get3A_562, %get3A_563] {strides = array<i32>} : memref<512x32xf32, #tpu.memory_space<vmem>>, vector<16xf32>,
      %get3A_565 = arith.index_cast %add3A_558 : i32 to index
      %get3A_566 = arith.constant 0 : index
      %get3A_567 = tpu.vector_load %arg13[%get3A_565, %get3A_566] {strides = array<i32>} : memref<512x32xf32, #tpu.memory_space<vmem>>, vector<16xf32>,
      %get3A_568 = arith.index_cast %add3A_558 : i32 to index
      %get3A_569 = arith.constant 16 : index
      %get3A_570 = tpu.vector_load %arg13[%get3A_568, %get3A_569] {strides = array<i32>} : memref<512x32xf32, #tpu.memory_space<vmem>>, vector<16xf32>,
      %mul3A_571 = arith.mulf %get3A_561, %get3A_567 : vector<16xf32>
      %mul3A_572 = arith.mulf %get3A_564, %get3A_570 : vector<16xf32>
      %add3A_573 = arith.addf %mul3A_571, %mul3A_572 : vector<16xf32>
      %reduce_sum3A_574 = arith.constant true
      %reduce_sum3A_575 = vector.broadcast %reduce_sum3A_574 : i1 to vector<16xi1>
      %reduce_sum3A_576 = tpu.scan <sum>, %add3A_573 masked %reduce_sum3A_575 : vector<16xf32>, vector<16xi1> -> vector<16xf32>
      %reduce_sum3A_577 = vector.extract %reduce_sum3A_576[15] : f32 from vector<16xf32>
      %eq3A_578 = arith.constant 10 : i32
      %eq3A_579 = vector.broadcast %eq3A_578 : i32 to vector<16xi32>
      %eq3A_580 = arith.cmpi eq, %iota3A, %eq3A_579 : vector<16xi32>
      %broadcast_in_dim3A_581 = vector.broadcast %reduce_sum3A_577 : f32 to vector<16xf32>
      %select_n3A_582 = arith.select %eq3A_580, %broadcast_in_dim3A_581, %select_n3A_556 : vector<16xi1>, vector<16xf32>
      %add3A_583 = arith.constant 11 : i32
      %add3A_584 = arith.addi %add3A_298, %add3A_583 : i32
      %get3A_585 = arith.index_cast %add3A_584 : i32 to index
      %get3A_586 = arith.constant 0 : index
      %get3A_587 = tpu.vector_load %arg12[%get3A_585, %get3A_586] {strides = array<i32>} : memref<512x32xf32, #tpu.memory_space<vmem>>, vector<16xf32>,
      %get3A_588 = arith.index_cast %add3A_584 : i32 to index
      %get3A_589 = arith.constant 16 : index
      %get3A_590 = tpu.vector_load %arg12[%get3A_588, %get3A_589] {strides = array<i32>} : memref<512x32xf32, #tpu.memory_space<vmem>>, vector<16xf32>,
      %get3A_591 = arith.index_cast %add3A_584 : i32 to index
      %get3A_592 = arith.constant 0 : index
      %get3A_593 = tpu.vector_load %arg13[%get3A_591, %get3A_592] {strides = array<i32>} : memref<512x32xf32, #tpu.memory_space<vmem>>, vector<16xf32>,
      %get3A_594 = arith.index_cast %add3A_584 : i32 to index
      %get3A_595 = arith.constant 16 : index
      %get3A_596 = tpu.vector_load %arg13[%get3A_594, %get3A_595] {strides = array<i32>} : memref<512x32xf32, #tpu.memory_space<vmem>>, vector<16xf32>,
      %mul3A_597 = arith.mulf %get3A_587, %get3A_593 : vector<16xf32>
      %mul3A_598 = arith.mulf %get3A_590, %get3A_596 : vector<16xf32>
      %add3A_599 = arith.addf %mul3A_597, %mul3A_598 : vector<16xf32>
      %reduce_sum3A_600 = arith.constant true
      %reduce_sum3A_601 = vector.broadcast %reduce_sum3A_600 : i1 to vector<16xi1>
      %reduce_sum3A_602 = tpu.scan <sum>, %add3A_599 masked %reduce_sum3A_601 : vector<16xf32>, vector<16xi1> -> vector<16xf32>
      %reduce_sum3A_603 = vector.extract %reduce_sum3A_602[15] : f32 from vector<16xf32>
      %eq3A_604 = arith.constant 11 : i32
      %eq3A_605 = vector.broadcast %eq3A_604 : i32 to vector<16xi32>
      %eq3A_606 = arith.cmpi eq, %iota3A, %eq3A_605 : vector<16xi32>
      %broadcast_in_dim3A_607 = vector.broadcast %reduce_sum3A_603 : f32 to vector<16xf32>
      %select_n3A_608 = arith.select %eq3A_606, %broadcast_in_dim3A_607, %select_n3A_582 : vector<16xi1>, vector<16xf32>
      %add3A_609 = arith.constant 12 : i32
      %add3A_610 = arith.addi %add3A_298, %add3A_609 : i32
      %get3A_611 = arith.index_cast %add3A_610 : i32 to index
      %get3A_612 = arith.constant 0 : index
      %get3A_613 = tpu.vector_load %arg12[%get3A_611, %get3A_612] {strides = array<i32>} : memref<512x32xf32, #tpu.memory_space<vmem>>, vector<16xf32>,
      %get3A_614 = arith.index_cast %add3A_610 : i32 to index
      %get3A_615 = arith.constant 16 : index
      %get3A_616 = tpu.vector_load %arg12[%get3A_614, %get3A_615] {strides = array<i32>} : memref<512x32xf32, #tpu.memory_space<vmem>>, vector<16xf32>,
      %get3A_617 = arith.index_cast %add3A_610 : i32 to index
      %get3A_618 = arith.constant 0 : index
      %get3A_619 = tpu.vector_load %arg13[%get3A_617, %get3A_618] {strides = array<i32>} : memref<512x32xf32, #tpu.memory_space<vmem>>, vector<16xf32>,
      %get3A_620 = arith.index_cast %add3A_610 : i32 to index
      %get3A_621 = arith.constant 16 : index
      %get3A_622 = tpu.vector_load %arg13[%get3A_620, %get3A_621] {strides = array<i32>} : memref<512x32xf32, #tpu.memory_space<vmem>>, vector<16xf32>,
      %mul3A_623 = arith.mulf %get3A_613, %get3A_619 : vector<16xf32>
      %mul3A_624 = arith.mulf %get3A_616, %get3A_622 : vector<16xf32>
      %add3A_625 = arith.addf %mul3A_623, %mul3A_624 : vector<16xf32>
      %reduce_sum3A_626 = arith.constant true
      %reduce_sum3A_627 = vector.broadcast %reduce_sum3A_626 : i1 to vector<16xi1>
      %reduce_sum3A_628 = tpu.scan <sum>, %add3A_625 masked %reduce_sum3A_627 : vector<16xf32>, vector<16xi1> -> vector<16xf32>
      %reduce_sum3A_629 = vector.extract %reduce_sum3A_628[15] : f32 from vector<16xf32>
      %eq3A_630 = arith.constant 12 : i32
      %eq3A_631 = vector.broadcast %eq3A_630 : i32 to vector<16xi32>
      %eq3A_632 = arith.cmpi eq, %iota3A, %eq3A_631 : vector<16xi32>
      %broadcast_in_dim3A_633 = vector.broadcast %reduce_sum3A_629 : f32 to vector<16xf32>
      %select_n3A_634 = arith.select %eq3A_632, %broadcast_in_dim3A_633, %select_n3A_608 : vector<16xi1>, vector<16xf32>
      %add3A_635 = arith.constant 13 : i32
      %add3A_636 = arith.addi %add3A_298, %add3A_635 : i32
      %get3A_637 = arith.index_cast %add3A_636 : i32 to index
      %get3A_638 = arith.constant 0 : index
      %get3A_639 = tpu.vector_load %arg12[%get3A_637, %get3A_638] {strides = array<i32>} : memref<512x32xf32, #tpu.memory_space<vmem>>, vector<16xf32>,
      %get3A_640 = arith.index_cast %add3A_636 : i32 to index
      %get3A_641 = arith.constant 16 : index
      %get3A_642 = tpu.vector_load %arg12[%get3A_640, %get3A_641] {strides = array<i32>} : memref<512x32xf32, #tpu.memory_space<vmem>>, vector<16xf32>,
      %get3A_643 = arith.index_cast %add3A_636 : i32 to index
      %get3A_644 = arith.constant 0 : index
      %get3A_645 = tpu.vector_load %arg13[%get3A_643, %get3A_644] {strides = array<i32>} : memref<512x32xf32, #tpu.memory_space<vmem>>, vector<16xf32>,
      %get3A_646 = arith.index_cast %add3A_636 : i32 to index
      %get3A_647 = arith.constant 16 : index
      %get3A_648 = tpu.vector_load %arg13[%get3A_646, %get3A_647] {strides = array<i32>} : memref<512x32xf32, #tpu.memory_space<vmem>>, vector<16xf32>,
      %mul3A_649 = arith.mulf %get3A_639, %get3A_645 : vector<16xf32>
      %mul3A_650 = arith.mulf %get3A_642, %get3A_648 : vector<16xf32>
      %add3A_651 = arith.addf %mul3A_649, %mul3A_650 : vector<16xf32>
      %reduce_sum3A_652 = arith.constant true
      %reduce_sum3A_653 = vector.broadcast %reduce_sum3A_652 : i1 to vector<16xi1>
      %reduce_sum3A_654 = tpu.scan <sum>, %add3A_651 masked %reduce_sum3A_653 : vector<16xf32>, vector<16xi1> -> vector<16xf32>
      %reduce_sum3A_655 = vector.extract %reduce_sum3A_654[15] : f32 from vector<16xf32>
      %eq3A_656 = arith.constant 13 : i32
      %eq3A_657 = vector.broadcast %eq3A_656 : i32 to vector<16xi32>
      %eq3A_658 = arith.cmpi eq, %iota3A, %eq3A_657 : vector<16xi32>
      %broadcast_in_dim3A_659 = vector.broadcast %reduce_sum3A_655 : f32 to vector<16xf32>
      %select_n3A_660 = arith.select %eq3A_658, %broadcast_in_dim3A_659, %select_n3A_634 : vector<16xi1>, vector<16xf32>
      %add3A_661 = arith.constant 14 : i32
      %add3A_662 = arith.addi %add3A_298, %add3A_661 : i32
      %get3A_663 = arith.index_cast %add3A_662 : i32 to index
      %get3A_664 = arith.constant 0 : index
      %get3A_665 = tpu.vector_load %arg12[%get3A_663, %get3A_664] {strides = array<i32>} : memref<512x32xf32, #tpu.memory_space<vmem>>, vector<16xf32>,
      %get3A_666 = arith.index_cast %add3A_662 : i32 to index
      %get3A_667 = arith.constant 16 : index
      %get3A_668 = tpu.vector_load %arg12[%get3A_666, %get3A_667] {strides = array<i32>} : memref<512x32xf32, #tpu.memory_space<vmem>>, vector<16xf32>,
      %get3A_669 = arith.index_cast %add3A_662 : i32 to index
      %get3A_670 = arith.constant 0 : index
      %get3A_671 = tpu.vector_load %arg13[%get3A_669, %get3A_670] {strides = array<i32>} : memref<512x32xf32, #tpu.memory_space<vmem>>, vector<16xf32>,
      %get3A_672 = arith.index_cast %add3A_662 : i32 to index
      %get3A_673 = arith.constant 16 : index
      %get3A_674 = tpu.vector_load %arg13[%get3A_672, %get3A_673] {strides = array<i32>} : memref<512x32xf32, #tpu.memory_space<vmem>>, vector<16xf32>,
      %mul3A_675 = arith.mulf %get3A_665, %get3A_671 : vector<16xf32>
      %mul3A_676 = arith.mulf %get3A_668, %get3A_674 : vector<16xf32>
      %add3A_677 = arith.addf %mul3A_675, %mul3A_676 : vector<16xf32>
      %reduce_sum3A_678 = arith.constant true
      %reduce_sum3A_679 = vector.broadcast %reduce_sum3A_678 : i1 to vector<16xi1>
      %reduce_sum3A_680 = tpu.scan <sum>, %add3A_677 masked %reduce_sum3A_679 : vector<16xf32>, vector<16xi1> -> vector<16xf32>
      %reduce_sum3A_681 = vector.extract %reduce_sum3A_680[15] : f32 from vector<16xf32>
      %eq3A_682 = arith.constant 14 : i32
      %eq3A_683 = vector.broadcast %eq3A_682 : i32 to vector<16xi32>
      %eq3A_684 = arith.cmpi eq, %iota3A, %eq3A_683 : vector<16xi32>
      %broadcast_in_dim3A_685 = vector.broadcast %reduce_sum3A_681 : f32 to vector<16xf32>
      %select_n3A_686 = arith.select %eq3A_684, %broadcast_in_dim3A_685, %select_n3A_660 : vector<16xi1>, vector<16xf32>
      %add3A_687 = arith.constant 15 : i32
      %add3A_688 = arith.addi %add3A_298, %add3A_687 : i32
      %get3A_689 = arith.index_cast %add3A_688 : i32 to index
      %get3A_690 = arith.constant 0 : index
      %get3A_691 = tpu.vector_load %arg12[%get3A_689, %get3A_690] {strides = array<i32>} : memref<512x32xf32, #tpu.memory_space<vmem>>, vector<16xf32>,
      %get3A_692 = arith.index_cast %add3A_688 : i32 to index
      %get3A_693 = arith.constant 16 : index
      %get3A_694 = tpu.vector_load %arg12[%get3A_692, %get3A_693] {strides = array<i32>} : memref<512x32xf32, #tpu.memory_space<vmem>>, vector<16xf32>,
      %get3A_695 = arith.index_cast %add3A_688 : i32 to index
      %get3A_696 = arith.constant 0 : index
      %get3A_697 = tpu.vector_load %arg13[%get3A_695, %get3A_696] {strides = array<i32>} : memref<512x32xf32, #tpu.memory_space<vmem>>, vector<16xf32>,
      %get3A_698 = arith.index_cast %add3A_688 : i32 to index
      %get3A_699 = arith.constant 16 : index
      %get3A_700 = tpu.vector_load %arg13[%get3A_698, %get3A_699] {strides = array<i32>} : memref<512x32xf32, #tpu.memory_space<vmem>>, vector<16xf32>,
      %mul3A_701 = arith.mulf %get3A_691, %get3A_697 : vector<16xf32>
      %mul3A_702 = arith.mulf %get3A_694, %get3A_700 : vector<16xf32>
      %add3A_703 = arith.addf %mul3A_701, %mul3A_702 : vector<16xf32>
      %reduce_sum3A_704 = arith.constant true
      %reduce_sum3A_705 = vector.broadcast %reduce_sum3A_704 : i1 to vector<16xi1>
      %reduce_sum3A_706 = tpu.scan <sum>, %add3A_703 masked %reduce_sum3A_705 : vector<16xf32>, vector<16xi1> -> vector<16xf32>
      %reduce_sum3A_707 = vector.extract %reduce_sum3A_706[15] : f32 from vector<16xf32>
      %eq3A_708 = arith.constant 15 : i32
      %eq3A_709 = vector.broadcast %eq3A_708 : i32 to vector<16xi32>
      %eq3A_710 = arith.cmpi eq, %iota3A, %eq3A_709 : vector<16xi32>
      %broadcast_in_dim3A_711 = vector.broadcast %reduce_sum3A_707 : f32 to vector<16xf32>
      %select_n3A_712 = arith.select %eq3A_710, %broadcast_in_dim3A_711, %select_n3A_686 : vector<16xi1>, vector<16xf32>
      %get3A_713 = arith.index_cast %add3A_298 : i32 to index
      %get3A_714 = tpu.vector_load %arg14[%get3A_713] {strides = array<i32>} : memref<512xf32, #tpu.memory_space<vmem>>, vector<16xf32>,
      %add3A_715 = arith.addf %select_n3A_712, %get3A_714 : vector<16xf32>
      %get3A_716 = arith.index_cast %add3A_298 : i32 to index
      %get3A_717 = tpu.vector_load %arg15[%get3A_716] {strides = array<i32>} : memref<512xf32, #tpu.memory_space<vmem>>, vector<16xf32>,
      %add3A_718 = arith.addf %add3A_715, %get3A_717 : vector<16xf32>
      %add3A_719 = arith.addf %add3A_718, %get3A_287 : vector<16xf32>
      %swap3A = arith.index_cast %add3A_298 : i32 to index
      %swap3A_720 = tpu.vector_load %arg16[%swap3A] {strides = array<i32>} : memref<512xf32, #tpu.memory_space<vmem>>, vector<16xf32>,
      tpu.vector_store %arg16[%swap3A], %add3A_719 {strides = array<i32>} : memref<512xf32, #tpu.memory_space<vmem>>, vector<16xf32>,
    }
    %scan3A_291 = arith.constant 32 : i32
    %mul3A_292 = arith.constant 512 : i32
    %mul3A_293 = arith.muli %add3A, %mul3A_292 : i32
    "tpu.region"() ({
      %run_scoped3A = tpu.sem_alloc : memref<!tpu.dma_semaphore, #tpu.memory_space<semaphore_mem>>
      %dma_start3A_294 = tpu.memref_slice %arg9[%mul3A_293] : memref<16384xf32, #tpu.memory_space<hbm>> -> memref<512xf32, #tpu.memory_space<hbm>>
      %dma_start3A_295 = tpu.memref_slice %arg9[%mul3A_293] : memref<16384xf32, #tpu.memory_space<hbm>> -> memref<512xf32, #tpu.memory_space<hbm>>
      tpu.enqueue_dma source(%arg16 : memref<512xf32, #tpu.memory_space<vmem>>) target(%dma_start3A_295 : memref<512xf32, #tpu.memory_space<hbm>>) target_semaphore(%run_scoped3A : memref<!tpu.dma_semaphore, #tpu.memory_space<semaphore_mem>>)
      %dma_wait3A_296 = tpu.memref_slice %arg9[%mul3A_293] : memref<16384xf32, #tpu.memory_space<hbm>> -> memref<512xf32, #tpu.memory_space<hbm>>
      %dma_wait3A_297 = tpu.memref_slice %arg9[%mul3A_293] : memref<16384xf32, #tpu.memory_space<hbm>> -> memref<512xf32, #tpu.memory_space<hbm>>
      tpu.wait_dma2 semaphore(%run_scoped3A : memref<!tpu.dma_semaphore, #tpu.memory_space<semaphore_mem>>) src(%arg16 : memref<512xf32, #tpu.memory_space<vmem>>) dst(%dma_wait3A_297 : memref<512xf32, #tpu.memory_space<hbm>>)
      tpu.yield
    }) : () -> ()
    return
  }
}

</mosaic_0001>

<sc_bundles>
// kernel: kernel.3.cloned.1.call-start
scs
__scs_entry_jumppad:
0x0: {  	(pc) =	sbr.rel $0x88, $3  }
0x1: {  	(tag) =	ssettag $0x0;
	lr =	simm.s32 $0x1  }
0x2: {  	[smem:$0x3F9A] =	sst lr;
	_ =	strace $0xD0000000  }
0x3: {  	_ = 	snop  }
0x4: {  	_ = 	snop  }
0x5: {  	_ = 	snop  }
0x6: {  	_ = 	snop  }
0x7: {  	_ = 	snop  }
__scs_overlays_trampoline_lowered:
0x8: {  	[smem:$0x3FA9] =	sst s0  }
0x9: {  	[smem:$0x3FAA] =	sst s1  }
0xa: {  	[smem:$0x3FAB] =	sst s2  }
0xb: {  	[smem:$0x3FAC] =	sst s3  }
0xc: {  	[smem:$0x3FAD] =	sst s4  }
0xd: {  	[smem:$0x3FAE] =	sst s5  }
0xe: {  	[smem:$0x3FAF] =	sst s6  }
0xf: {  	[smem:$0x3FB0] =	sst s7  }
0x10: {  	[smem:$0x3FB1] =	sst s8  }
0x11: {  	[smem:$0x3FB2] =	sst s9;
	s0 =	simm.s32 @!p0 $0x0  }
0x12: {  	s1 =	sld [smem:$0x3F98];
	s0 =	simm.s32 @p0 $0x1  }
0x13: {  	[smem:$0x3FB3] =	sst s0;
	s0 =	simm.s32 @!p1 $0x0  }
0x14: {  	s2 =	sld [smem:$0x3F97];
	s0 =	simm.s32 @p1 $0x1  }
0x15: {  	[smem:$0x3FB4] =	sst s0;
	s0 =	simm.s32 @!p2 $0x0  }
0x16: {  	s3 =	sld [smem:$0x3FDB];
	s0 =	simm.s32 @p2 $0x1  }
0x17: {  	s4 =	simm.s32 $0x1BF5;
	[smem:$0x3FB6] =	sst s0  }
0x18: {  	s0 =	sld [smem:$0x3F99];
	_ =	swait.ge [sflag:s4], $0x0  }
0x19: {  	s7 =	sld [smem:$0x3F9A]  }
0x1a: {  	s8 =	sadd.s32 $0xFFFFE003, lr  }
0x1b: {  	s9 =	sadd.s32 $0xFFFFFEF7, lr;
	s5 =	simm.s32 $0xFFFFFFFF;
	p2 =	slt.u32 s8, $0xFFFFF086  }
0x1c: {  	p1 =	slt.u32 s9, $0xF7A;
	s5 =	simm.s32 @!p2 $0x0  }
0x1d: {  	s5 =	simm.s32 @p1 $0x1;
	p0 =	seq.s32 s7, s2  }
0x1e: {  	s7 =	smul.u32 @!p0 $0xF7A, s2;
	p2 =	seq.s32 @!p0 s5, $0x0  }
0x1f: {  	s9 =	smul.u32 $0xF7A, s1;
	s8 =	simm.s32 @!p0 $0x1BF5;
	p2 =	por !p2, p0  }
0x20: {  	[sflag:s8] =	ssyncset.s32 @!p0 $0xFFFFF086;
	s6 =	sadd.s32 @!p0 s3, s7;
	s7 =	simm.s32 @!p0 $0x108  }
0x21: {  	s3 =	sadd.s32 s3, s9;
	s6 =	sadd.s32 @!p0 $0x88, s6;
	s7 =	simm.s32 @p2 $0x1082  }
0x22: {  	[simem:s7], [sflag:s8] =	dma.local @!p0 [hbm:s6], $0xF7A  }
0x23: {  	s9 =	sor.u32 $0xD0000000, s2;
	s6 =	simm.s32 $0x108;
	_ =	swait.ge @!p0 [sflag:s8], $0x0  }
0x24: {  	s3 =	sadd.s32 $0x88, s3;
	s6 =	simm.s32 @!p1 $0x1082;
	[sflag:s4] =	ssyncset.s32 $0xFFFFF086  }
0x25: {  	[simem:s6], [sflag:s4] =	dma.local [hbm:s3], $0xF7A  }
0x26: {  	[smem:$0x3F9A] =	sst s1;
	(tag) =	ssettag s2;
	_ =	strace s9  }
0x27: {  	s1 =	sld [smem:$0x3FAA]  }
0x28: {  	s2 =	sld [smem:$0x3FAB]  }
0x29: {  	s4 =	sld [smem:$0x3FAD]  }
0x2a: {  	p0 =	seq.s32 s5, $0x0;
	s5 =	sld [smem:$0x3FAE]  }
0x2b: {  	s6 =	sld [smem:$0x3FAF]  }
0x2c: {  	s7 =	sld [smem:$0x3FB0]  }
0x2d: {  	s3 =	simm.s32 $0x108;
	s8 =	sld [smem:$0x3FB1]  }
0x2e: {  	s3 =	simm.s32 @!p0 $0x1082;
	s9 =	sld [smem:$0x3FB2]  }
0x2f: {  	lr =	sadd.s32 s0, s3;
	s0 =	sld [smem:$0x3FA9]  }
0x30: {  	s3 =	sld [smem:$0x3FAC]  }
0x31: {  	[smem:$0x3FB5] =	sst s10  }
0x32: {  	s10 =	sld [smem:$0x3FB3];
	_ =	sdelay $0x3  }
0x33: {  	p0 =	seq.s32 s10, $0x1;
	s10 =	sld [smem:$0x3FB5];
	_ =	sdelay $0x3  }
0x34: {  	[smem:$0x3FB5] =	sst s10  }
0x35: {  	s10 =	sld [smem:$0x3FB4];
	_ =	sdelay $0x3  }
0x36: {  	p1 =	seq.s32 s10, $0x1;
	s10 =	sld [smem:$0x3FB5];
	_ =	sdelay $0x3  }
0x37: {  	[smem:$0x3FB5] =	sst s10  }
0x38: {  	s10 =	sld [smem:$0x3FB6]  }
0x39: {  	_ = 	snop;
	(pc) =	sbr.ind lr, $3  }
0x3a: {  	_ = 	snop  }
0x3b: {  	_ = 	snop  }
0x3c: {  	p2 =	seq.s32 s10, $0x1;
	s10 =	sld [smem:$0x3FB5]  }
0x3d: {  	_ =	shalt  }
0x3e: {  	_ =	shalt  }
0x3f: {  	_ =	shalt  }
0x40: {  	_ =	shalt  }
0x41: {  	_ =	shalt  }
0x42: {  	_ =	shalt  }
0x43: {  	_ =	shalt  }
0x44: {  	_ =	shalt  }
0x45: {  	_ =	shalt  }
0x46: {  	_ =	shalt  }
0x47: {  	_ =	shalt  }
0x48: {  	_ =	shalt  }
0x49: {  	_ =	shalt  }
0x4a: {  	_ =	shalt  }
0x4b: {  	_ =	shalt  }
0x4c: {  	_ =	shalt  }
0x4d: {  	_ =	shalt  }
0x4e: {  	_ =	shalt  }
0x4f: {  	_ =	shalt  }
0x50: {  	_ =	shalt  }
0x51: {  	_ =	shalt  }
0x52: {  	_ =	shalt  }
0x53: {  	_ =	shalt  }
0x54: {  	_ =	shalt  }
0x55: {  	_ =	shalt  }
0x56: {  	_ =	shalt  }
0x57: {  	_ =	shalt  }
0x58: {  	_ =	shalt  }
0x59: {  	_ =	shalt  }
0x5a: {  	_ =	shalt  }
0x5b: {  	_ =	shalt  }
0x5c: {  	_ =	shalt  }
0x5d: {  	_ =	shalt  }
0x5e: {  	_ =	shalt  }
0x5f: {  	_ =	shalt  }
0x60: {  	_ =	shalt  }
0x61: {  	_ =	shalt  }
0x62: {  	_ =	shalt  }
0x63: {  	_ =	shalt  }
0x64: {  	_ =	shalt  }
0x65: {  	_ =	shalt  }
0x66: {  	_ =	shalt  }
0x67: {  	_ =	shalt  }
0x68: {  	_ =	shalt  }
0x69: {  	_ =	shalt  }
0x6a: {  	_ =	shalt  }
0x6b: {  	_ =	shalt  }
0x6c: {  	_ =	shalt  }
0x6d: {  	_ =	shalt  }
0x6e: {  	_ =	shalt  }
0x6f: {  	_ =	shalt  }
0x70: {  	_ =	shalt  }
0x71: {  	_ =	shalt  }
0x72: {  	_ =	shalt  }
0x73: {  	_ =	shalt  }
0x74: {  	_ =	shalt  }
0x75: {  	_ =	shalt  }
0x76: {  	_ =	shalt  }
0x77: {  	_ =	shalt  }
0x78: {  	_ =	shalt  }
0x79: {  	_ =	shalt  }
0x7a: {  	_ =	shalt  }
0x7b: {  	_ =	shalt  }
0x7c: {  	_ =	shalt  }
0x7d: {  	_ =	shalt  }
0x7e: {  	_ =	shalt  }
0x7f: {  	_ =	shalt  }
0x80: {  	_ =	shalt  }
0x81: {  	_ =	shalt  }
0x82: {  	_ =	shalt  }
0x83: {  	_ =	shalt  }
0x84: {  	_ =	shalt  }
0x85: {  	_ =	shalt  }
0x86: {  	_ =	shalt  }
0x87: {  	_ =	shalt  }
.Lfunc_end0:
.L_simem_size_0:
called_computation_lowered:
.L_overlay_start_0:
0x88: {  	s2 =	sld [smem:$0x3FD9]  }
0x89: {  	s3 =	sld [smem:$0x3FFE];
	_ =	sdelay $0x1  }
0x8a: {  	s1 =	srdreg.scid  }
0x8b: {  	s0 =	sand.u32 $0x1, s1  }
0x8c: {  	s17 =	sshll.u32 s0, $0xA;
	s2 =	sadd.s32 s3, s2  }
0x8d: {  	s2 =	sadd.s32 s2, s17  }
0x8e: {  	[smem:$0x3FC1] =	sst s2  }
0x8f: {  	_ = 	snop  }
0x90: {  	s2 =	sld [smem:$0x3FC9]  }
0x91: {  	s18 =	sld [smem:$0x3FC8]  }
0x92: {  	s4 =	sld [smem:$0x3FD0];
	(tm) =	ssettm $0x1  }
0x93: {  	s5 =	sld [smem:$0x3FFB];
	_ =	sdelay $0x3  }
0x94: {  	_ =	strace s5  }
0x95: {  	s5 =	sld [smem:$0x3FFC];
	_ =	sdelay $0x3  }
0x96: {  	_ =	strace s5  }
0x97: {  	s5 =	sld [smem:$0x3FFD];
	_ =	sdelay $0x3  }
0x98: {  	_ =	strace s5  }
0x99: {  	_ =	strace $0x8FFFFFFF  }
0x9a: {  	s19 =	sld [smem:$0x3FDB];
	_ =	sdelay $0x1  }
0x9b: {  	s6 =	simm.s32 $_scs_section_size  }
0x9c: {  	s7 =	simm.s32 $_size__tile_overlayer_lowered;
	s8 =	simm.s32 $_tile_overlayer_lowered  }
0x9d: {  	s22 =	simm.s32 $0x1BFF;
	s21 =	sshll.u32 s8, $0x1;
	s5 =	sadd.s32 s6, s19  }
0x9e: {  	s9 =	simm.s32 $0x0;
	s20 =	sshll.u32 s7, $0x1;
	s7 =	sadd.s32 s21, s5  }
0x9f: {  	[timem:s9], [sflag:s22] =	dma.local [hbm:s7], s20  }
0xa0: {  	_ =	swait.ge [sflag:s22], s20  }
0xa1: {  	s6 =	ssub.s32 $0x0, s20;
	[sflag:s22] =	ssyncset.done $0x0  }
0xa2: {  	[sflag:s22] =	ssyncadd.s32 s6;
	_ =	sdelay $0x1  }
0xa3: {  	s23 =	simm.s32 $0x1B8B  }
0xa4: {  	_ =	swait.ge [sflag:s23], $0x1  }
0xa5: {  	[sflag:s23] =	ssyncset.done $0x0  }
0xa6: {  	s25 =	simm.s32 $0x1B8E;
	s24 =	sld [smem:$0x3FFE];
	[sflag:s23] =	ssyncadd.s32 $0xFFFFFFFF  }
0xa7: {  	s26 =	simm.s32 $execute0_lowered;
	[smem:$0x3FD2] =	sst s25  }
0xa8: {  	s7 =	sshll.u32 s26, $0x1;
	_ =	strace $0x80000046;
	[dreg:$0x1] =	wrdreg $0xFFFFFFFF  }
0xa9: {  	s28 =	simm.s32 $_size_execute0_lowered;
	s5 =	sadd.s32 s5, s7;
	[dreg:$0x0] =	wrdreg $0x0  }
0xaa: {  	s7 =	sshll.u32 s28, $0x1;
	[dreg:$0x2] =	wrdreg s5  }
0xab: {  	[dreg:$0x3] =	wrdreg s7  }
0xac: {  	[dreg:$0x4] =	wrdreg $0xC0  }
0xad: {  	_ =	task [dreg:s9], $0x5FFFF  }
0xae: {  	[dreg:$0x1] =	wrdreg $0xFFFFFFFF  }
0xaf: {  	[dreg:$0x0] =	wrdreg $0x60  }
0xb0: {  	[dreg:$0x2] =	wrdreg s2  }
0xb1: {  	[dreg:$0x3] =	wrdreg s18  }
0xb2: {  	[dreg:$0x4] =	wrdreg s24  }
0xb3: {  	[dreg:$0x5] =	wrdreg s4  }
0xb4: {  	[dreg:$0x6] =	wrdreg $0x9  }
0xb5: {  	_ =	task.clear_ibuf [dreg:s9], $0x7FFFF;
	_ =	strace $0x90000046  }
0xb6: {  	s29 =	simm.s32 $0x9;
	_ =	strace $0x80000048  }
0xb7: {  	_ =	swait.ge [sflag:s29], $0x1  }
0xb8: {  	[sflag:s29] =	ssyncadd.s32 $0xFFFFFFFF  }
0xb9: {  	_ =	strace $0x90000048  }
0xba: {  	_ =	sfence  }
0xbb: {  	s30 =	sld [smem:$0x0];
	_ =	sdelay $0x2  }
0xbc: {  	s31 =	sshll.u32 s1, $0xD;
	s1 =	sshrl.u32 s1, $0x2  }
0xbd: {  	s3 =	sand.u32 $0x4000, s31;
	s1 =	sadd.s32 s1, s30  }
0xbe: {  	s0 =	sor.u32 s3, s0;
	s1 =	sshll.u32 s1, $0x11  }
0xbf: {  	s0 =	sor.u32 s1, s0  }
0xc0: {  	s0 =	sadd.s32 $0x8F2B, s0  }
0xc1: {  	[sflag:s0] =	ssyncadd.remote.s32 $0x1  }
0xc2: {  	_ =	sfence.sel $0xFFFF  }
0xc3: {  	[dreg:$0x0] =	wrdreg $0xFFFFFFFF;
	(pc) =	sbr.abs _section_cstart, $3  }
0xc4: {  	[dreg:$0x1] =	wrdreg $0xFFFFFFFF  }
0xc5: {  	_ =	task.clear_ibuf [dreg:s9], $0x2FFFF;
	_ =	strace $0x9FFFFFFF  }
0xc6: {  	(tm) =	ssettm $0x7FFFFFFF  }
0xc7: {  	_ =	shalt  }
tec
execute0_lowered:
.L_overlay_start_1:
0x0: {  	(tag) =	ssettag $0x1  }
0x1: {  	s0 =	rddreg [dreg:$0x0]  }
0x2: {  	s3 =	rddreg [dreg:$0x1]  }
0x3: {  	s1 =	rddreg [dreg:$0x2]  }
0x4: {  	s10 =	rddreg [dreg:$0x3]  }
0x5: {  	s2 =	simm.s32 $0x0;
	s7 =	srdreg.scid;
	s9 =	stileid.u32  }
0x6: {  	s13 =	simm.s32 $0x200;
	s15 =	simm.s32 $0x80;
	s21 =	simm.s32 $0x280  }
0x7: {  	s25 =	simm.s32 $0x100;
	s28 =	simm.s32 $0x300;
	s14 =	simm.s32 $0x380  }
0x8: {  	s17 =	simm.s32 $0x8580;
	s18 =	simm.s32 $0x8780;
	s19 =	simm.s32 $0x1  }
0x9: {  	s20 =	simm.s32 $0x2;
	s22 =	simm.s32 $0x3;
	s23 =	simm.s32 $0x4  }
0xa: {  	s24 =	simm.s32 $0x8800;
	s26 =	simm.s32 $0x0;
	[smem:$0x7FF] =	sst s2  }
0xb: {  	s4 =	sadd.s32 $0x1312E00, s1;
	s5 =	sadd.s32 $0xF42400, s1;
	s7 =	sand.u32 $0x1, s7  }
0xc: {  	vm0 =	vmmov $0x1;
	vm1 =	vmmov $0x3;
	vm2 =	vmmov $0x7;
	s6 =	sadd.s32 $0x1EA00, s1;
	s9 =	sshll.u32 s9, $0x7;
	s8 =	ssub.s32 $0x2, s7  }
0xd: {  	vm3 =	vmmov $0xf;
	vm4 =	vmmov $0x1f;
	vm5 =	vmmov $0x3f;
	_ =	strace $0x80000047;
	s11 =	sshll.u32 s7, $0x6;
	s12 =	sshrl.u32 s8, $0x1  }
0xe: {  	vm6 =	vmmov $0x7f;
	vm7 =	vmmov $0xff;
	vm8 =	vmmov $0x1ff;
	s7 =	sadd.s32 $0x3D400, s1;
	s11 =	sor.u32 s11, s9;
	s12 =	ssub.s32 s8, s12  }
0xf: {  	vm9 =	vmmov $0x3ff;
	vm10 =	vmmov $0x7ff;
	vm11 =	vmmov $0xfff;
	s8 =	sadd.s32 s0, s11;
	s9 =	sadd.s32 s3, s11;
	s10 =	sadd.s32 s10, s11  }
0x10: {  	vm12 =	vmmov $0x1fff;
	vm13 =	vmmov $0x3fff;
	vm14 =	vmmov $0x7fff;
	s0 =	simm.s32 $0x180;
	s11 =	smax.u32 s12, $0x1;
	s12 =	simm.s32 $0x5  }
.LBB2_1:
0x11: {  	[tilespmem:s2], [sflag:$0x5] =	stream.linear.gather [hbm4b:s8+s2], $0x200, $0x38;
	[tilespmem:$0x8A10] =	vst v63  }
0x12: {  	_ =	swait.ge [sflag:s12], $0x200  }
0x13: {  	[sflag:s12] =	ssyncset.done $0x0  }
0x14: {  	[sflag:s12] =	ssyncadd.s32 $0xFFFFFE00  }
0x15: {  	[tilespmem:s13], [sflag:$0x5] =	stream.linear.gather [hbm4b:s9+s2], $0x200, $0x38;
	[tilespmem:$0x8A10] =	vst v63  }
0x16: {  	_ =	swait.ge [sflag:s12], $0x200  }
0x17: {  	[sflag:s12] =	ssyncset.done $0x0  }
0x18: {  	s3 =	simm.s32 $0x8A00;
	[sflag:s12] =	ssyncadd.s32 $0xFFFFFE00  }
0x19: {  	[tilespmem:s3], [sflag:$0x5] =	stream.linear.gather [hbm4b:s7+s2], $0x10, $0x38;
	[tilespmem:$0x8A10] =	vst v63  }
0x1a: {  	_ =	swait.ge [sflag:s12], $0x10  }
0x1b: {  	[sflag:s12] =	ssyncset.done $0x0  }
0x1c: {  	s16 =	simm.s32 $0x400;
	[sflag:s12] =	ssyncadd.s32 $0xFFFFFFF0  }
0x1d: {  	[tilespmem:s16], [sflag:$0x1] =	stream.indirect.gather [hbm4b:s4+s15], $0x20, s2, s15, $0xb8;
	[tilespmem:$0x8A10] =	vst v63  }
0x1e: {  	s16 =	simm.s32 $0x4400  }
0x1f: {  	[tilespmem:s16], [sflag:$0x2] =	stream.indirect.gather [hbm4b:s5+s15], $0x20, s13, s15, $0xb8;
	[tilespmem:$0x8A10] =	vst v63  }
0x20: {  	s16 =	simm.s32 $0x8400  }
0x21: {  	[tilespmem:s16], [sflag:$0x3] =	stream.indirect.gather [hbm4b:s6+s15], $0x1, s2, s15, $0xb8;
	[tilespmem:$0x8A10] =	vst v63  }
0x22: {  	s16 =	simm.s32 $0x8600  }
0x23: {  	[tilespmem:s16], [sflag:$0x4] =	stream.indirect.gather [hbm4b:s1+s15], $0x1, s13, s15, $0xb8;
	[tilespmem:$0x8A10] =	vst v63  }
0x24: {  	s16 =	simm.s32 $0x1400  }
0x25: {  	[tilespmem:s16], [sflag:$0x1] =	stream.indirect.gather [hbm4b:s4+s15], $0x20, s15, s15, $0xb8;
	[tilespmem:$0x8A10] =	vst v63  }
0x26: {  	s16 =	simm.s32 $0x5400  }
0x27: {  	[tilespmem:s16], [sflag:$0x2] =	stream.indirect.gather [hbm4b:s5+s15], $0x20, s21, s15, $0xb8;
	[tilespmem:$0x8A10] =	vst v63  }
0x28: {  	s16 =	simm.s32 $0x8480  }
0x29: {  	[tilespmem:s16], [sflag:$0x3] =	stream.indirect.gather [hbm4b:s6+s15], $0x1, s15, s15, $0xb8;
	[tilespmem:$0x8A10] =	vst v63  }
0x2a: {  	s16 =	simm.s32 $0x8680  }
0x2b: {  	[tilespmem:s16], [sflag:$0x4] =	stream.indirect.gather [hbm4b:s1+s15], $0x1, s21, s15, $0xb8;
	[tilespmem:$0x8A10] =	vst v63  }
0x2c: {  	s16 =	simm.s32 $0x2400  }
0x2d: {  	[tilespmem:s16], [sflag:$0x1] =	stream.indirect.gather [hbm4b:s4+s15], $0x20, s25, s15, $0xb8;
	[tilespmem:$0x8A10] =	vst v63  }
0x2e: {  	s16 =	simm.s32 $0x6400  }
0x2f: {  	[tilespmem:s16], [sflag:$0x2] =	stream.indirect.gather [hbm4b:s5+s15], $0x20, s28, s15, $0xb8;
	[tilespmem:$0x8A10] =	vst v63  }
0x30: {  	s16 =	simm.s32 $0x8500  }
0x31: {  	[tilespmem:s16], [sflag:$0x3] =	stream.indirect.gather [hbm4b:s6+s15], $0x1, s25, s15, $0xb8;
	[tilespmem:$0x8A10] =	vst v63  }
0x32: {  	s16 =	simm.s32 $0x8700  }
0x33: {  	[tilespmem:s16], [sflag:$0x4] =	stream.indirect.gather [hbm4b:s1+s15], $0x1, s28, s15, $0xb8;
	[tilespmem:$0x8A10] =	vst v63  }
0x34: {  	s16 =	simm.s32 $0x3400  }
0x35: {  	[tilespmem:s16], [sflag:$0x1] =	stream.indirect.gather [hbm4b:s4+s15], $0x20, s0, s15, $0xb8;
	[tilespmem:$0x8A10] =	vst v63  }
0x36: {  	s16 =	simm.s32 $0x7400  }
0x37: {  	[tilespmem:s16], [sflag:$0x2] =	stream.indirect.gather [hbm4b:s5+s15], $0x20, s14, s15, $0xb8;
	[tilespmem:$0x8A10] =	vst v63  }
0x38: {  	_ = 	snop  }
0x39: {  	[tilespmem:s17], [sflag:$0x3] =	stream.indirect.gather [hbm4b:s6+s15], $0x1, s0, s15, $0xb8;
	[tilespmem:$0x8A10] =	vst v63  }
0x3a: {  	_ = 	snop  }
0x3b: {  	[tilespmem:s18], [sflag:$0x4] =	stream.indirect.gather [hbm4b:s1+s15], $0x1, s14, s15, $0xb8;
	[tilespmem:$0x8A10] =	vst v63  }
0x3c: {  	_ =	swait.ge [sflag:s19], $0x1000  }
0x3d: {  	[sflag:s19] =	ssyncset.done $0x0  }
0x3e: {  	[sflag:s19] =	ssyncadd.s32 $0xFFFFF000  }
0x3f: {  	_ =	swait.ge [sflag:s20], $0x1000  }
0x40: {  	[sflag:s20] =	ssyncset.done $0x0  }
0x41: {  	[sflag:s20] =	ssyncadd.s32 $0xFFFFF000  }
0x42: {  	_ =	swait.ge [sflag:s22], $0x80  }
0x43: {  	[sflag:s22] =	ssyncset.done $0x0  }
0x44: {  	[sflag:s22] =	ssyncadd.s32 $0xFFFFFF80  }
0x45: {  	_ =	swait.ge [sflag:s23], $0x80  }
0x46: {  	[sflag:s23] =	ssyncset.done $0x0  }
0x47: {  	[sflag:s23] =	ssyncadd.s32 $0xFFFFFF80  }
0x48: {  	_ =	swait.ge [sflag:s19], $0x1000  }
0x49: {  	[sflag:s19] =	ssyncset.done $0x0  }
0x4a: {  	[sflag:s19] =	ssyncadd.s32 $0xFFFFF000  }
0x4b: {  	_ =	swait.ge [sflag:s20], $0x1000  }
0x4c: {  	[sflag:s20] =	ssyncset.done $0x0  }
0x4d: {  	[sflag:s20] =	ssyncadd.s32 $0xFFFFF000  }
0x4e: {  	_ =	swait.ge [sflag:s22], $0x80  }
0x4f: {  	[sflag:s22] =	ssyncset.done $0x0  }
0x50: {  	[sflag:s22] =	ssyncadd.s32 $0xFFFFFF80  }
0x51: {  	_ =	swait.ge [sflag:s23], $0x80  }
0x52: {  	[sflag:s23] =	ssyncset.done $0x0  }
0x53: {  	[sflag:s23] =	ssyncadd.s32 $0xFFFFFF80  }
0x54: {  	_ =	swait.ge [sflag:s19], $0x1000  }
0x55: {  	[sflag:s19] =	ssyncset.done $0x0  }
0x56: {  	[sflag:s19] =	ssyncadd.s32 $0xFFFFF000  }
0x57: {  	_ =	swait.ge [sflag:s20], $0x1000  }
0x58: {  	[sflag:s20] =	ssyncset.done $0x0  }
0x59: {  	[sflag:s20] =	ssyncadd.s32 $0xFFFFF000  }
0x5a: {  	_ =	swait.ge [sflag:s22], $0x80  }
0x5b: {  	[sflag:s22] =	ssyncset.done $0x0  }
0x5c: {  	[sflag:s22] =	ssyncadd.s32 $0xFFFFFF80  }
0x5d: {  	_ =	swait.ge [sflag:s23], $0x80  }
0x5e: {  	[sflag:s23] =	ssyncset.done $0x0  }
0x5f: {  	[sflag:s23] =	ssyncadd.s32 $0xFFFFFF80  }
0x60: {  	_ =	swait.ge [sflag:s19], $0x1000  }
0x61: {  	[sflag:s19] =	ssyncset.done $0x0  }
0x62: {  	[sflag:s19] =	ssyncadd.s32 $0xFFFFF000  }
0x63: {  	_ =	swait.ge [sflag:s20], $0x1000  }
0x64: {  	[sflag:s20] =	ssyncset.done $0x0  }
0x65: {  	[sflag:s20] =	ssyncadd.s32 $0xFFFFF000  }
0x66: {  	_ =	swait.ge [sflag:s22], $0x80  }
0x67: {  	[sflag:s22] =	ssyncset.done $0x0  }
0x68: {  	[sflag:s22] =	ssyncadd.s32 $0xFFFFFF80  }
0x69: {  	_ =	swait.ge [sflag:s23], $0x80  }
0x6a: {  	[sflag:s23] =	ssyncset.done $0x0  }
0x6b: {  	[sflag:s23] =	ssyncadd.s32 $0xFFFFFF80  }
0x6c: {  	s30 =	simm.s32 $0x500;
	v0 =	vld [tilespmem:$0x8A00]  }
0x6d: {  	s29 =	simm.s32 $0x4500;
	v3 =	vld [tilespmem:s30+$0xC0]  }
0x6e: {  	v4 =	vld [tilespmem:s29+$0xC0]  }
0x6f: {  	v6 =	vld [tilespmem:s30+$0xD0]  }
0x70: {  	v7 =	vld [tilespmem:s29+$0xD0]  }
0x71: {  	v1 =	vld [tilespmem:s30+$0xA0]  }
0x72: {  	v8 =	vld [tilespmem:s30+$0x80]  }
0x73: {  	v9 =	vld [tilespmem:s29+$0x80]  }
0x74: {  	v10 =	vld [tilespmem:s30+$0x90]  }
0x75: {  	v11 =	vld [tilespmem:s29+$0x90]  }
0x76: {  	v12 =	vld [tilespmem:s30+$0x60]  }
0x77: {  	v13 =	vld [tilespmem:s29+$0x60]  }
0x78: {  	v14 =	vld [tilespmem:s30+$0x70]  }
0x79: {  	v15 =	vld [tilespmem:s29+$0x70]  }
0x7a: {  	v2 =	vld [tilespmem:s30+$0x40]  }
0x7b: {  	v16 =	vld [tilespmem:s30+$0x20]  }
0x7c: {  	v17 =	vld [tilespmem:s29+$0x20]  }
0x7d: {  	v18 =	vld [tilespmem:s30+$0x30]  }
0x7e: {  	v19 =	vld [tilespmem:s29+$0x30]  }
0x7f: {  	v20 =	vld [tilespmem:s30+$0x0]  }
0x80: {  	v21 =	vld [tilespmem:s29+$0x0]  }
0x81: {  	v22 =	vld [tilespmem:s30+$0x10]  }
0x82: {  	v23 =	vld [tilespmem:s29+$0x10]  }
0x83: {  	v5 =	vld [tilespmem:s30+$0xFFFFFFE0]  }
0x84: {  	v24 =	vld [tilespmem:s30+$0xFFFFFFC0]  }
0x85: {  	v25 =	vld [tilespmem:s29+$0xFFFFFFC0];
	v3 =	vmul.f32 v4, v3;
	v4 =	vmul.f32 v7, v6  }
0x86: {  	v26 =	vld [tilespmem:s30+$0xFFFFFFD0]  }
0x87: {  	v27 =	vld [tilespmem:s29+$0xFFFFFFD0];
	v3 =	vadd.f32 v4, v3  }
0x88: {  	v28 =	vld [tilespmem:s30+$0xFFFFFFA0];
	v7 =	vmul.f32 v9, v8;
	v9 =	vmul.f32 v11, v10  }
0x89: {  	v29 =	vld [tilespmem:s29+$0xFFFFFFA0];
	(xrf2) =	vadd.scan.msk.f32 $0xffff, v3  }
0x8a: {  	v30 =	vld [tilespmem:s30+$0xFFFFFFB0];
	v10 =	vmul.f32 v15, v14;
	v4 =	vmul.f32 v13, v12;
	v7 =	vadd.f32 v9, v7  }
0x8b: {  	v6 =	vld [tilespmem:s29+$0xFFFFFFB0];
	v11 =	vmul.f32 v19, v18;
	v9 =	vmul.f32 v17, v16  }
0x8c: {  	v8 =	vld [tilespmem:s30+$0xFFFFFF80];
	v3 =	vadd.f32 v10, v4;
	(xrf2) =	vadd.scan.msk.f32 $0xffff, v7  }
0x8d: {  	v14 =	vld [tilespmem:s29+$0xFFFFFF60];
	v7 =	vadd.f32 v11, v9  }
0x8e: {  	v15 =	vld [tilespmem:s29+$0xFFFFFF70];
	(xrf2) =	vadd.scan.msk.f32 $0xffff, v3  }
0x8f: {  	v18 =	vld [tilespmem:s30+$0xFFFFFF50];
	v3 =	vmul.f32 v21, v20;
	(xrf2) =	vadd.scan.msk.f32 $0xffff, v7;
	v7 =	vmul.f32 v23, v22  }
0x90: {  	v19 =	vld [tilespmem:s29+$0xFFFFFF50]  }
0x91: {  	v4 =	vld [tilespmem:s30+$0xFFFFFF70];
	v7 =	vadd.f32 v7, v3  }
0x92: {  	v12 =	vld [tilespmem:s30+$0xFFFFFF60];
	v13 =	vmul.f32 v25, v24;
	v20 =	vmul.f32 v27, v26  }
0x93: {  	v16 =	vld [tilespmem:s30+$0xFFFFFF40];
	v3, _, _ =	vpop (xrf2);
	(xrf2) =	vadd.scan.msk.f32 $0xffff, v7  }
0x94: {  	v17 =	vld [tilespmem:s29+$0xFFFFFF40];
	v20 =	vadd.f32 v20, v13  }
0x95: {  	v62 =	vmul.f32 v29, v28;
	v10 =	vld [tilespmem:s30+$0xFFFFFF00];
	v6 =	vmul.f32 v6, v30  }
0x96: {  	v9 =	vld [tilespmem:s29+$0xFFFFFF00];
	v15 =	vmul.f32 v15, v4;
	v4, _, _ =	vpop (xrf2);
	(xrf2) =	vadd.scan.msk.f32 $0xffff, v20  }
0x97: {  	v11 =	vld [tilespmem:s30+$0xFFFFFF10];
	v7 =	vadd.f32 v6, v62  }
0x98: {  	v63 =	vmul.f32 v14, v12;
	v12 =	vld [tilespmem:s30+$0xFFFFFF20]  }
0x99: {  	v13 =	vld [tilespmem:s29+$0xFFFFFF10];
	v6, _, _ =	vpop (xrf2);
	(xrf2) =	vadd.scan.msk.f32 $0xffff, v7  }
0x9a: {  	v14 =	vld [tilespmem:s29+$0xFFFFFF20];
	v20 =	vadd.f32 v15, v63  }
0x9b: {  	v18 =	vmul.f32 v19, v18;
	v17 =	vmul.f32 v17, v16;
	v16 =	vld [tilespmem:s29+$0xFFFFFF30]  }
0x9c: {  	s31 =	simm.s32 $0x0;
	s3 =	simm.s32 $0x40;
	v15 =	vld [tilespmem:s30+$0xFFFFFF30];
	v7, _, _ =	vpop (xrf2);
	(xrf2) =	vadd.scan.msk.f32 $0xffff, v20  }
.LBB2_2:
0x9d: {  	p0 =	sne.s32 s3, $0x7C0;
	v20 =	vadd.f32 v18, v17;
	v18 =	vld [tilespmem:s29+$0xFFFFFF80];
	v19, _, _ =	vpop (xrf2)  }
0x9e: {  	v9 =	vmul.f32 v9, v10;
	v10 =	vmul.f32 v13, v11;
	v11 =	vld [tilespmem:s30+$0xFFFFFF90]  }
0x9f: {  	v13 =	vld [tilespmem:s29+$0xFFFFFF90];
	(xrf2) =	vadd.scan.msk.f32 $0xffff, v20  }
0xa0: {  	v9 =	vadd.f32 v10, v9;
	v10 =	vld [tilespmem:s29+$0xFFFFFFE0];
	v17, _, _ =	vpop (xrf2)  }
0xa1: {  	v12 =	vmul.f32 v14, v12;
	v20 =	vmul.f32 v16, v15;
	v15 =	vld [tilespmem:s30+$0xFFFFFFF0]  }
0xa2: {  	v16 =	vld [tilespmem:s29+$0xFFFFFFF0];
	(xrf2) =	vadd.scan.msk.f32 $0xffff, v9  }
0xa3: {  	v9 =	vadd.f32 v20, v12;
	v12 =	vld [tilespmem:s29+$0x40];
	v14, _, _ =	vpop (xrf2)  }
0xa4: {  	v8 =	vmul.f32 v18, v8;
	v20 =	vmul.f32 v13, v11;
	v13 =	vld [tilespmem:s30+$0x50]  }
0xa5: {  	v18 =	vld [tilespmem:s29+$0x50];
	(xrf2) =	vadd.scan.msk.f32 $0xffff, v9  }
0xa6: {  	v8 =	vadd.f32 v20, v8;
	v9 =	vld [tilespmem:s29+$0xA0];
	v11, _, _ =	vpop (xrf2)  }
0xa7: {  	v5 =	vmul.f32 v10, v5;
	v20 =	vmul.f32 v16, v15;
	v15 =	vld [tilespmem:s30+$0xB0]  }
0xa8: {  	v16 =	vld [tilespmem:s29+$0xB0];
	(xrf2) =	vadd.scan.msk.f32 $0xffff, v8  }
0xa9: {  	v5 =	vadd.f32 v20, v5;
	v8 =	vld [tilespmem:s30+$0xE0];
	v10, _, _ =	vpop (xrf2)  }
0xaa: {  	v2 =	vmul.f32 v12, v2;
	v20 =	vmul.f32 v18, v13;
	v13 =	vld [tilespmem:s29+$0xE0]  }
0xab: {  	v18 =	vld [tilespmem:s30+$0xF0];
	(xrf2) =	vadd.scan.msk.f32 $0xffff, v5  }
0xac: {  	v2 =	vadd.f32 v20, v2;
	v5 =	vld [tilespmem:s29+$0xF0];
	v12, _, _ =	vpop (xrf2)  }
0xad: {  	v1 =	vmul.f32 v9, v1;
	v9 =	vmul.f32 v16, v15  }
0xae: {  	(xrf2) =	vadd.scan.msk.f32 $0xffff, v2  }
0xaf: {  	v1 =	vadd.f32 v9, v1;
	v2 =	vmul.f32 v13, v8;
	v8, _, _ =	vpop (xrf2)  }
0xb0: {  	v12 =	vbroadcast v12, $0xF;
	v8 =	vbroadcast v8, $0xF  }
0xb1: {  	v10 =	vbroadcast v10, $0xF;
	v5 =	vmul.f32 v5, v18;
	(xrf2) =	vadd.scan.msk.f32 $0xffff, v1  }
0xb2: {  	v1 =	vsel vm0, v12, v8;
	v8 =	vbroadcast v11, $0xF;
	v9, _, _ =	vpop (xrf2)  }
0xb3: {  	v1 =	vsel vm1, v1, v10;
	v10 =	vbroadcast v9, $0xF;
	v2 =	vadd.f32 v5, v2  }
0xb4: {  	v5 =	vbroadcast v14, $0xF;
	v1 =	vsel vm2, v1, v8  }
0xb5: {  	v8 =	vbroadcast v17, $0xF;
	v1 =	vsel vm3, v1, v10;
	v9, _, _ =	vpop (xrf2);
	(xrf2) =	vadd.scan.msk.f32 $0xffff, v2  }
0xb6: {  	v1 =	vsel vm4, v1, v5;
	v2 =	vbroadcast v9, $0xF  }
0xb7: {  	v5 =	vbroadcast v19, $0xF;
	v1 =	vsel vm5, v1, v8  }
0xb8: {  	v1 =	vsel vm6, v1, v2;
	v2 =	vbroadcast v7, $0xF;
	v7, _, _ =	vpop (xrf2)  }
0xb9: {  	v1 =	vsel vm7, v1, v5;
	v7 =	vbroadcast v7, $0xF  }
0xba: {  	v1 =	vsel vm8, v1, v2;
	v2 =	vbroadcast v6, $0xF  }
0xbb: {  	v4 =	vbroadcast v4, $0xF;
	s16 =	sshra.s32 s31, $0x2;
	s31 =	smov.u32 s3;
	v1 =	vsel vm9, v1, v7;
	v5, _, _ =	vpop (xrf2)  }
0xbc: {  	v1 =	vsel vm10, v1, v2;
	v2 =	vbroadcast v5, $0xF;
	v5 =	vld [tilespmem:s16+$0x8400]  }
0xbd: {  	v1 =	vsel vm11, v1, v4;
	v4 =	vbroadcast v3, $0xF  }
0xbe: {  	v1 =	vsel vm12, v1, v2;
	v2 =	vld [tilespmem:s16+$0x8600]  }
0xbf: {  	v1 =	vsel vm13, v1, v4;
	v3, _, _ =	vpop (xrf2)  }
0xc0: {  	v1 =	vsel vm14, v1, v3  }
0xc1: {  	v1 =	vadd.f32 v1, v5;
	_ =	sdelay $0x1  }
0xc2: {  	v1 =	vadd.f32 v1, v2;
	_ =	sdelay $0x1  }
0xc3: {  	v1 =	vadd.f32 v1, v0;
	_ =	sdelay $0x1  }
0xc4: {  	s30 =	sadd.s32 $0x200, s30;
	[tilespmem:s16+$0x8800] =	vst v1  }
0xc5: {  	s29 =	sadd.s32 $0x200, s29;
	v3 =	vld [tilespmem:s30+$0xC0]  }
0xc6: {  	v4 =	vld [tilespmem:s29+$0xC0]  }
0xc7: {  	v6 =	vld [tilespmem:s30+$0xD0]  }
0xc8: {  	v7 =	vld [tilespmem:s29+$0xD0]  }
0xc9: {  	v1 =	vld [tilespmem:s30+$0xA0]  }
0xca: {  	v8 =	vld [tilespmem:s30+$0x80]  }
0xcb: {  	v9 =	vld [tilespmem:s29+$0x80]  }
0xcc: {  	v10 =	vld [tilespmem:s30+$0x90]  }
0xcd: {  	v11 =	vld [tilespmem:s29+$0x90]  }
0xce: {  	v12 =	vld [tilespmem:s30+$0x60]  }
0xcf: {  	v13 =	vld [tilespmem:s29+$0x60]  }
0xd0: {  	v14 =	vld [tilespmem:s30+$0x70]  }
0xd1: {  	v15 =	vld [tilespmem:s29+$0x70]  }
0xd2: {  	v2 =	vld [tilespmem:s30+$0x40]  }
0xd3: {  	v16 =	vld [tilespmem:s30+$0x20]  }
0xd4: {  	v17 =	vld [tilespmem:s29+$0x20]  }
0xd5: {  	v18 =	vld [tilespmem:s30+$0x30]  }
0xd6: {  	v19 =	vld [tilespmem:s29+$0x30]  }
0xd7: {  	v20 =	vld [tilespmem:s30+$0x0]  }
0xd8: {  	v21 =	vld [tilespmem:s29+$0x0]  }
0xd9: {  	v22 =	vld [tilespmem:s30+$0x10]  }
0xda: {  	v23 =	vld [tilespmem:s29+$0x10]  }
0xdb: {  	v3 =	vmul.f32 v4, v3;
	v4 =	vmul.f32 v7, v6;
	v5 =	vld [tilespmem:s30+$0xFFFFFFE0]  }
0xdc: {  	v6 =	vld [tilespmem:s30+$0xFFFFFFC0]  }
0xdd: {  	v3 =	vadd.f32 v4, v3;
	v7 =	vld [tilespmem:s29+$0xFFFFFFC0]  }
0xde: {  	v8 =	vmul.f32 v9, v8;
	v9 =	vmul.f32 v11, v10;
	v4 =	vld [tilespmem:s30+$0xFFFFFFD0]  }
0xdf: {  	v10 =	vld [tilespmem:s29+$0xFFFFFFD0];
	(xrf2) =	vadd.scan.msk.f32 $0xffff, v3  }
0xe0: {  	v3 =	vadd.f32 v9, v8;
	v11 =	vld [tilespmem:s30+$0xFFFFFFA0]  }
0xe1: {  	v8 =	vmul.f32 v13, v12;
	v9 =	vmul.f32 v15, v14;
	v24 =	vld [tilespmem:s29+$0xFFFFFFA0]  }
0xe2: {  	v12 =	vld [tilespmem:s30+$0xFFFFFFB0];
	(xrf2) =	vadd.scan.msk.f32 $0xffff, v3  }
0xe3: {  	v3 =	vadd.f32 v9, v8;
	v13 =	vld [tilespmem:s29+$0xFFFFFFB0]  }
0xe4: {  	v14 =	vmul.f32 v19, v18;
	v9 =	vmul.f32 v17, v16;
	v8 =	vld [tilespmem:s30+$0xFFFFFF80]  }
0xe5: {  	v15 =	vld [tilespmem:s30+$0xFFFFFF60];
	(xrf2) =	vadd.scan.msk.f32 $0xffff, v3  }
0xe6: {  	v25 =	vadd.f32 v14, v9;
	v16 =	vld [tilespmem:s29+$0xFFFFFF60]  }
0xe7: {  	v17 =	vmul.f32 v23, v22;
	v9 =	vmul.f32 v21, v20;
	v14 =	vld [tilespmem:s30+$0xFFFFFF70]  }
0xe8: {  	v18 =	vld [tilespmem:s29+$0xFFFFFF70];
	(xrf2) =	vadd.scan.msk.f32 $0xffff, v25  }
0xe9: {  	v9 =	vadd.f32 v17, v9;
	v19 =	vld [tilespmem:s30+$0xFFFFFF40];
	v3, _, _ =	vpop (xrf2)  }
0xea: {  	v6 =	vmul.f32 v7, v6;
	v7 =	vmul.f32 v10, v4;
	v17 =	vld [tilespmem:s29+$0xFFFFFF40]  }
0xeb: {  	v20 =	vld [tilespmem:s30+$0xFFFFFF50];
	(xrf2) =	vadd.scan.msk.f32 $0xffff, v9  }
0xec: {  	v22 =	vadd.f32 v7, v6;
	v21 =	vld [tilespmem:s29+$0xFFFFFF50];
	v4, _, _ =	vpop (xrf2)  }
0xed: {  	v7 =	vmul.f32 v24, v11;
	v12 =	vmul.f32 v13, v12;
	v9 =	vld [tilespmem:s29+$0xFFFFFF00]  }
0xee: {  	v10 =	vld [tilespmem:s30+$0xFFFFFF00];
	(xrf2) =	vadd.scan.msk.f32 $0xffff, v22  }
0xef: {  	v23 =	vadd.f32 v12, v7;
	v11 =	vld [tilespmem:s30+$0xFFFFFF10];
	v6, _, _ =	vpop (xrf2)  }
.Ltmp0:
0xf0: {  	v15 =	vmul.f32 v16, v15;
	v16 =	vmul.f32 v18, v14;
	v13 =	vld [tilespmem:s29+$0xFFFFFF10];
	(pc) =	sbr.rel @p0 .LBB2_2-.Ltmp0, $4  }
0xf1: {  	v12 =	vld [tilespmem:s30+$0xFFFFFF20];
	(xrf2) =	vadd.scan.msk.f32 $0xffff, v23  }
0xf2: {  	v22 =	vadd.f32 v16, v15;
	v14 =	vld [tilespmem:s29+$0xFFFFFF20];
	v7, _, _ =	vpop (xrf2)  }
0xf3: {  	v17 =	vmul.f32 v17, v19;
	v18 =	vmul.f32 v21, v20;
	v15 =	vld [tilespmem:s30+$0xFFFFFF30]  }
0xf4: {  	s3 =	sadd.s32 $0x40, s3;
	v16 =	vld [tilespmem:s29+$0xFFFFFF30];
	(xrf2) =	vadd.scan.msk.f32 $0xffff, v22  }
0xf5: {  	v19 =	vld [tilespmem:s29+$0xFFFFFF80]  }
0xf6: {  	v20 =	vld [tilespmem:s30+$0xFFFFFF90]  }
0xf7: {  	v21 =	vld [tilespmem:s29+$0xFFFFFF90]  }
0xf8: {  	v9 =	vmul.f32 v9, v10;
	v61 =	vmul.f32 v13, v11;
	v62 =	vld [tilespmem:s29+$0xFFFFFFE0]  }
0xf9: {  	v63 =	vadd.f32 v18, v17;
	v22 =	vld [tilespmem:s30+$0xFFFFFFF0];
	v12 =	vmul.f32 v14, v12;
	v18 =	vmul.f32 v16, v15  }
0xfa: {  	v23 =	vld [tilespmem:s29+$0xFFFFFFF0];
	v9 =	vadd.f32 v61, v9  }
0xfb: {  	v24 =	vld [tilespmem:s29+$0x40];
	(xrf2) =	vadd.scan.msk.f32 $0xffff, v63;
	v12 =	vadd.f32 v18, v12  }
0xfc: {  	v26 =	vld [tilespmem:s30+$0x50];
	(xrf2) =	vadd.scan.msk.f32 $0xffff, v9;
	v8 =	vmul.f32 v19, v8;
	v25 =	vmul.f32 v21, v20  }
0xfd: {  	v27 =	vld [tilespmem:s29+$0x50];
	(xrf2) =	vadd.scan.msk.f32 $0xffff, v12  }
0xfe: {  	v28 =	vld [tilespmem:s29+$0xA0];
	v8 =	vadd.f32 v25, v8  }
0xff: {  	v29 =	vld [tilespmem:s30+$0xB0];
	v5 =	vmul.f32 v62, v5;
	v10 =	vmul.f32 v23, v22  }
0x100: {  	v30 =	vld [tilespmem:s29+$0xB0];
	(xrf2) =	vadd.scan.msk.f32 $0xffff, v8  }
0x101: {  	v31, _, _ =	vpop (xrf2);
	v32 =	vld [tilespmem:s30+$0xE0];
	v5 =	vadd.f32 v10, v5  }
0x102: {  	v35 =	vld [tilespmem:s29+$0xE0];
	v33, _, _ =	vpop (xrf2);
	v2 =	vmul.f32 v24, v2;
	v34 =	vmul.f32 v27, v26  }
0x103: {  	v37 =	vld [tilespmem:s30+$0xF0];
	v36, _, _ =	vpop (xrf2);
	(xrf2) =	vadd.scan.msk.f32 $0xffff, v5  }
0x104: {  	v39 =	vld [tilespmem:s29+$0xF0];
	v2 =	vadd.f32 v34, v2;
	v38, _, _ =	vpop (xrf2)  }
0x105: {  	v1 =	vmul.f32 v28, v1;
	v41 =	vmul.f32 v30, v29;
	v40, _, _ =	vpop (xrf2)  }
0x106: {  	(xrf2) =	vadd.scan.msk.f32 $0xffff, v2;
	v42, _, _ =	vpop (xrf2)  }
0x107: {  	v43 =	vmul.f32 v35, v32;
	v1 =	vadd.f32 v41, v1;
	v44, _, _ =	vpop (xrf2)  }
0x108: {  	v45 =	vbroadcast v42, $0xF;
	v9 =	vbroadcast v44, $0xF  }
0x109: {  	v47 =	vmul.f32 v39, v37;
	(xrf2) =	vadd.scan.msk.f32 $0xffff, v1;
	v46 =	vbroadcast v40, $0xF  }
0x10a: {  	v5 =	vbroadcast v38, $0xF;
	v49, _, _ =	vpop (xrf2);
	v48 =	vsel vm0, v45, v9  }
0x10b: {  	v2 =	vadd.f32 v47, v43;
	v9 =	vbroadcast v49, $0xF;
	v1 =	vsel vm1, v48, v46  }
0x10c: {  	v50 =	vbroadcast v36, $0xF;
	v1 =	vsel vm2, v1, v5  }
0x10d: {  	v51 =	vbroadcast v33, $0xF;
	v52, _, _ =	vpop (xrf2);
	(xrf2) =	vadd.scan.msk.f32 $0xffff, v2;
	v1 =	vsel vm3, v1, v9  }
0x10e: {  	v53 =	vbroadcast v52, $0xF;
	v1 =	vsel vm4, v1, v50  }
0x10f: {  	v54 =	vbroadcast v31, $0xF;
	v1 =	vsel vm5, v1, v51  }
0x110: {  	v55 =	vbroadcast v7, $0xF;
	v56, _, _ =	vpop (xrf2);
	v1 =	vsel vm6, v1, v53  }
0x111: {  	v57 =	vbroadcast v56, $0xF;
	v1 =	vsel vm7, v1, v54  }
0x112: {  	v58 =	vbroadcast v6, $0xF;
	v1 =	vsel vm8, v1, v55  }
0x113: {  	v4 =	vbroadcast v4, $0xF;
	s3 =	sshra.s32 s31, $0x2;
	v59, _, _ =	vpop (xrf2);
	v1 =	vsel vm9, v1, v57  }
0x114: {  	v61 =	vld [tilespmem:s3+$0x8400];
	v60 =	vbroadcast v59, $0xF;
	v1 =	vsel vm10, v1, v58  }
0x115: {  	v3 =	vbroadcast v3, $0xF;
	v1 =	vsel vm11, v1, v4  }
0x116: {  	v62 =	vld [tilespmem:s3+$0x8600];
	v1 =	vsel vm12, v1, v60  }
0x117: {  	v63, _, _ =	vpop (xrf2);
	v1 =	vsel vm13, v1, v3  }
0x118: {  	v1 =	vsel vm14, v1, v63  }
0x119: {  	v1 =	vadd.f32 v1, v61;
	_ =	sdelay $0x1  }
0x11a: {  	v1 =	vadd.f32 v1, v62;
	_ =	sdelay $0x1  }
0x11b: {  	s26 =	sadd.s32 $0x1, s26;
	v0 =	vadd.f32 v1, v0  }
0x11c: {  	p0 =	sne.s32 s26, s11  }
.Ltmp1:
0x11d: {  	[tilespmem:s3+$0x8800] =	vst v0;
	(pc) =	sbr.rel @p0 .LBB2_1-.Ltmp1, $4  }
0x11e: {  	[hbm4b:s10+s2] =	stream.linear.scatter [tilespmem:s24], [sflag:$0x5], $0x200, $0x38;
	[tilespmem:$0x8A10] =	vst v63  }
0x11f: {  	_ =	swait.ge [sflag:s12], $0x200  }
0x120: {  	[sflag:s12] =	ssyncset.done $0x0  }
0x121: {  	[sflag:s12] =	ssyncadd.s32 $0xFFFFFE00  }
0x122: {  	_ =	sfence.sel $0x180000  }
0x123: {  	[bflag:$0x0] =	sbarrier.arrive $0xFFFF  }
0x124: {  	_ =	strace $0x90000047  }
0x125: {  	s0 =	stileid.u32;
	[bflag:$0x2] =	sbarrier.arrive $0xFFFF  }
0x126: {  	p0 =	sne.s32 s0, $0x0;
	s0 =	rddreg [dreg:$0x4]  }
0x127: {  	s0 =	sadd.s32 @!p0 $0x100000, s0  }
0x128: {  	[sflag:s0] =	ssyncadd.tile.s32 @!p0 $0x1;
	_ =	shalt  }
.Lfunc_end2:
_tile_overlayer_lowered:
.L_overlay_start_2:
0x129: {  	(tag) =	ssettag $0x2  }
0x12a: {  	s0 =	rddreg [dreg:$0x0];
	s2 =	stileid.u32  }
0x12b: {  	s1 =	rddreg [dreg:$0x1];
	p0 =	sne.s32 s2, $0x0  }
0x12c: {  	s3 =	rddreg [dreg:$0x2];
	[bflag:$0x3] =	sbarrier.arrive $0xFFFF;
	s2 =	simm.s32 @!p0 $0x1C05  }
0x12d: {  	[timem:s3], [sflag:s2] =	dma.local @!p0 [hbm:s0], s1  }
0x12e: {  	s0 =	simm.s32 @!p0 $0x5  }
0x12f: {  	_ =	swait.ge @!p0 [sflag:s0], s1  }
0x130: {  	s1 =	ssub.s32 @!p0 $0x0, s1;
	[sflag:s0] =	ssyncset.done @!p0 $0x0  }
0x131: {  	[sflag:s0] =	ssyncadd.s32 @!p0 s1  }
0x132: {  	[bflag:$0x3] =	sbarrier.arrive $0xFFFF  }
0x133: {  	_ =	shalt  }

</sc_bundles>
